<compile_context>
chip_gen: v7x
topology: tpu7x:2x2x1
jax: 0.10.2.dev20260603
libtpu: 0.0.44.dev20260713+nightly
codegen_flags: <defaults>
</compile_context>

<pallas_src>
import functools

import jax
import jax.numpy as jnp
from jax import lax
from jax.experimental import pallas as pl
from jax.experimental.pallas import tpu as pltpu
from jax.experimental.pallas import tpu_sc as plsc

VOCAB = 1000
DIM = 64
PDIM = 128
BATCH = 1024
SEQ = 50

NUM_CORES = 2
NUM_SUBCORES = 16
NUM_WORKERS = NUM_CORES * NUM_SUBCORES
ROWS_PER_W = BATCH // NUM_WORKERS
BLK = 4
NCHUNK = ROWS_PER_W // BLK
CT = BLK * SEQ


@functools.lru_cache(maxsize=1)
def _build():
    mesh = plsc.VectorSubcoreMesh(core_axis_name="c", subcore_axis_name="s")

    @functools.partial(
        pl.kernel,
        mesh=mesh,
        out_type=jax.ShapeDtypeStruct((BATCH, SEQ, DIM), jnp.float32),
        scratch_types=[
            pltpu.VMEM_SHARED((VOCAB, PDIM), jnp.float32),
            pltpu.VMEM((ROWS_PER_W, SEQ), jnp.int32),
            pltpu.VMEM((2, CT, PDIM), jnp.float32),
            pltpu.VMEM((2, BLK, SEQ, DIM), jnp.float32),
            pltpu.SemaphoreType.DMA,
            pltpu.SemaphoreType.DMA,
        ],
    )
    def gather_kernel(
        idx_hbm, table_hbm, out_hbm, table_s, idx_v, gbuf, obuf, gsem, wsem
    ):
        sid = lax.axis_index("s")
        wid = sid * NUM_CORES + lax.axis_index("c")
        base = wid * ROWS_PER_W

        @pl.when(sid == 0)
        def _():
            pltpu.sync_copy(table_hbm, table_s)

        pltpu.sync_copy(idx_hbm.at[pl.ds(base, ROWS_PER_W)], idx_v)
        plsc.subcore_barrier()

        def fire_gathers(c, slot):
            return [
                pltpu.async_copy(
                    table_s.at[idx_v.at[c * BLK + b]],
                    gbuf.at[slot].at[pl.ds(b * SEQ, SEQ)],
                    gsem,
                )
                for b in range(BLK)
            ]

        def relay(slot):
            for b in range(BLK):

                @pl.loop(0, SEQ)
                def _(s):
                    for l in range(DIM // 16):
                        obuf[slot, b, s, pl.ds(l * 16, 16)] = gbuf[
                            slot, b * SEQ + s, pl.ds(l * 16, 16)
                        ]

        def write_block(c, slot):
            return pltpu.async_copy(
                obuf.at[slot], out_hbm.at[pl.ds(base + c * BLK, BLK)], wsem
            )

        wbs = [None, None]

        @pl.loop(0, NCHUNK // 2)
        def _(i):
            c0 = 2 * i
            g0 = fire_gathers(c0, 0)
            g1 = fire_gathers(c0 + 1, 1)
            for g in g0:
                g.wait()
            relay(0)
            wb0 = write_block(c0, 0)
            for g in g1:
                g.wait()
            relay(1)
            wb1 = write_block(c0 + 1, 1)
            wb0.wait()
            wb1.wait()

    return gather_kernel


def kernel(token_ids, W):
    wp = jnp.pad(W, ((0, 0), (0, PDIM - DIM)))
    return _build()(token_ids.astype(jnp.int32), wp)

# --- scband reference (transcript-rebuilt; emitter-appended) ---
"""Pipeline reference for scband-embedding-18305150615599 (READ-ONLY COPY).

The authoritative reference and input builder live on the scoring server;
editing this copy changes nothing except your own understanding.
"""

import jax, jax.numpy as jnp
import numpy as np

NUM_EMBEDDINGS = 1000
EMBED_DIM = 64
BATCH = 1024
SEQ_LEN = 50


def setup_inputs(seed: int = 0) -> dict:
    key = jax.random.key(seed)
    k_idx, k_w = jax.random.split(key)
    token_ids = jax.random.randint(k_idx, (BATCH, SEQ_LEN), 0, NUM_EMBEDDINGS, dtype=jnp.int64 if jax.config.jax_enable_x64 else jnp.int32)
    # trunc_normal_(mean=0, std=1, a=-3, b=3)
    W = jax.random.truncated_normal(k_w, -3.0, 3.0, (NUM_EMBEDDINGS, EMBED_DIM), dtype=jnp.float32)
    return {"token_ids": token_ids, "W": W}


def reference(token_ids, W):
    # Faithful to the torch module: one-hot the tokens then contract with the
    # learnable weight (einsum 'batch seq vocab, vocab dim -> batch seq dim').
    one_hot = jax.nn.one_hot(token_ids, NUM_EMBEDDINGS, dtype=W.dtype)
    out = jnp.einsum('bsv,vd->bsd', one_hot, W)
    return out

if __name__ == "__main__":
    import jax
    _d = setup_inputs()
    print(jax.jit(kernel)(*tuple(_d.values())))

</pallas_src>

<mosaic_0001>
#map = affine_map<(d0, d1) -> (0, 0)>
#map1 = affine_map<(d0, d1) -> (0, 0, 0)>
module attributes {stable_mosaic.version = 14 : i64} {
  func.func @gather_kernel(%arg0: i32, %arg1: i32, %arg2: memref<1024x50xi32, #tpu.memory_space<hbm>>, %arg3: memref<1000x128xf32, #tpu.memory_space<hbm>>, %arg4: memref<1024x50x64xf32, #tpu.memory_space<hbm>>, %arg5: memref<1000x128xf32, #tpu.memory_space<vmem_shared>>, %arg6: memref<32x50xi32, #tpu.memory_space<vmem>>, %arg7: memref<2x200x128xf32, #tpu.memory_space<vmem>>, %arg8: memref<2x4x50x64xf32, #tpu.memory_space<vmem>>, %arg9: memref<!tpu.dma_semaphore, #tpu.memory_space<semaphore_mem>>, %arg10: memref<!tpu.dma_semaphore, #tpu.memory_space<semaphore_mem>>) attributes {dimension_semantics = [#tpu.dimension_semantics<core_parallel>, #tpu.dimension_semantics<subcore_parallel>], iteration_bounds = array<i64: 2, 16>, scalar_prefetch = 0 : i64, scratch_operands = 6 : i64, tpu.core_type = #tpu.core_type<sc_vector_subcore>, window_params = [{transform_indices = #map}, {transform_indices = #map}, {transform_indices = #map1}]} {
    %mul3A = arith.constant 2 : i32
    %mul3A_0 = arith.muli %arg1, %mul3A : i32
    %add3A = arith.addi %mul3A_0, %arg0 : i32
    %mul3A_1 = arith.constant 32 : i32
    %mul3A_2 = arith.muli %add3A, %mul3A_1 : i32
    %eq3A = arith.constant 0 : i32
    %eq3A_3 = arith.cmpi eq, %arg1, %eq3A : i32
    %convert_element_type3A = arith.extui %eq3A_3 : i1 to i32
    %cond3A = arith.constant 0 : i32
    %cond3A_4 = arith.cmpi ne, %convert_element_type3A, %cond3A : i32
    scf.if %cond3A_4 {
      "tpu.region"() ({
        %run_scoped3A = tpu.sem_alloc : memref<!tpu.dma_semaphore, #tpu.memory_space<semaphore_mem>>
        tpu.enqueue_dma source(%arg3 : memref<1000x128xf32, #tpu.memory_space<hbm>>) target(%arg5 : memref<1000x128xf32, #tpu.memory_space<vmem_shared>>) target_semaphore(%run_scoped3A : memref<!tpu.dma_semaphore, #tpu.memory_space<semaphore_mem>>)
        tpu.wait_dma2 semaphore(%run_scoped3A : memref<!tpu.dma_semaphore, #tpu.memory_space<semaphore_mem>>) src(%arg3 : memref<1000x128xf32, #tpu.memory_space<hbm>>) dst(%arg5 : memref<1000x128xf32, #tpu.memory_space<vmem_shared>>)
        tpu.yield
      }) : () -> ()
    } else {
    }
    "tpu.region"() ({
      %run_scoped3A = tpu.sem_alloc : memref<!tpu.dma_semaphore, #tpu.memory_space<semaphore_mem>>
      %dma_start3A = arith.constant 0 : i32
      %dma_start3A_9 = tpu.memref_slice %arg2[%mul3A_2, %dma_start3A] : memref<1024x50xi32, #tpu.memory_space<hbm>> -> memref<32x50xi32, #tpu.memory_space<hbm>>
      %dma_start3A_10 = arith.constant 0 : i32
      %dma_start3A_11 = tpu.memref_slice %arg2[%mul3A_2, %dma_start3A_10] : memref<1024x50xi32, #tpu.memory_space<hbm>> -> memref<32x50xi32, #tpu.memory_space<hbm>>
      tpu.enqueue_dma source(%dma_start3A_11 : memref<32x50xi32, #tpu.memory_space<hbm>>) target(%arg6 : memref<32x50xi32, #tpu.memory_space<vmem>>) target_semaphore(%run_scoped3A : memref<!tpu.dma_semaphore, #tpu.memory_space<semaphore_mem>>)
      %dma_wait3A = arith.constant 0 : i32
      %dma_wait3A_12 = tpu.memref_slice %arg2[%mul3A_2, %dma_wait3A] : memref<1024x50xi32, #tpu.memory_space<hbm>> -> memref<32x50xi32, #tpu.memory_space<hbm>>
      %dma_wait3A_13 = arith.constant 0 : i32
      %dma_wait3A_14 = tpu.memref_slice %arg2[%mul3A_2, %dma_wait3A_13] : memref<1024x50xi32, #tpu.memory_space<hbm>> -> memref<32x50xi32, #tpu.memory_space<hbm>>
      tpu.wait_dma2 semaphore(%run_scoped3A : memref<!tpu.dma_semaphore, #tpu.memory_space<semaphore_mem>>) src(%dma_wait3A_14 : memref<32x50xi32, #tpu.memory_space<hbm>>) dst(%arg6 : memref<32x50xi32, #tpu.memory_space<vmem>>)
      tpu.yield
    }) : () -> ()
    %barrier3A = arith.constant 0 : index
    tpu.barrier barrier_id(%barrier3A)
    %scan3A = arith.constant 0 : i32
    %scan3A_5 = arith.constant 4 : i32
    %scan3A_6 = arith.addi %scan3A, %scan3A_5 : i32
    %scan3A_7 = arith.constant 1 : i32
    scf.for %scan3A_9 = %scan3A to %scan3A_6 step %scan3A_7  : i32 {
      %mul3A_10 = arith.constant 1 : i32
      %mul3A_11 = arith.muli %scan3A_9, %mul3A_10 : i32
      %add3A_12 = arith.constant 0 : i32
      %add3A_13 = arith.addi %add3A_12, %mul3A_11 : i32
      %mul3A_14 = arith.constant 2 : i32
      %mul3A_15 = arith.muli %mul3A_14, %add3A_13 : i32
      %mul3A_16 = arith.constant 4 : i32
      %mul3A_17 = arith.muli %mul3A_15, %mul3A_16 : i32
      %add3A_18 = arith.constant 0 : i32
      %add3A_19 = arith.addi %mul3A_17, %add3A_18 : i32
      %dma_start3A = arith.constant 0 : i32
      %dma_start3A_20 = arith.constant 0 : i32
      %dma_start3A_21 = arith.constant 0 : i32
      %dma_start3A_22 = tpu.memref_slice %arg7[%dma_start3A, %dma_start3A_20, %dma_start3A_21] : memref<2x200x128xf32, #tpu.memory_space<vmem>> -> memref<1x200x128xf32, #tpu.memory_space<vmem>>
      %dma_start3A_23 = tpu.memref_squeeze %dma_start3A_22 : memref<1x200x128xf32, #tpu.memory_space<vmem>> -> memref<200x128xf32, #tpu.memory_space<vmem>>
      %dma_start3A_24 = arith.constant 0 : i32
      %dma_start3A_25 = arith.constant 0 : i32
      %dma_start3A_26 = tpu.memref_slice %dma_start3A_23[%dma_start3A_24, %dma_start3A_25] : memref<200x128xf32, #tpu.memory_space<vmem>> -> memref<50x128xf32, #tpu.memory_space<vmem>>
      %dma_start3A_27 = arith.constant 0 : i32
      %dma_start3A_28 = tpu.memref_slice %arg6[%add3A_19, %dma_start3A_27] : memref<32x50xi32, #tpu.memory_space<vmem>> -> memref<1x50xi32, #tpu.memory_space<vmem>>
      %dma_start3A_29 = tpu.memref_squeeze %dma_start3A_28 : memref<1x50xi32, #tpu.memory_space<vmem>> -> memref<50xi32, #tpu.memory_space<vmem>>
      %dma_start3A_30 = arith.constant 0 : i32
      %dma_start3A_31 = arith.constant 0 : i32
      %dma_start3A_32 = tpu.memref_slice %arg5[%dma_start3A_30, %dma_start3A_31] : memref<1000x128xf32, #tpu.memory_space<vmem_shared>> -> memref<1000x128xf32, #tpu.memory_space<vmem_shared>>
      tpu.enqueue_indirect_dma source(%dma_start3A_32 : memref<1000x128xf32, #tpu.memory_space<vmem_shared>>) target(%dma_start3A_26 : memref<50x128xf32, #tpu.memory_space<vmem>>) offsets(%dma_start3A_29 : memref<50xi32, #tpu.memory_space<vmem>>) semaphore(%arg9 : memref<!tpu.dma_semaphore, #tpu.memory_space<semaphore_mem>>)
      %mul3A_33 = arith.constant 4 : i32
      %mul3A_34 = arith.muli %mul3A_15, %mul3A_33 : i32
      %add3A_35 = arith.constant 1 : i32
      %add3A_36 = arith.addi %mul3A_34, %add3A_35 : i32
      %dma_start3A_37 = arith.constant 0 : i32
      %dma_start3A_38 = arith.constant 0 : i32
      %dma_start3A_39 = arith.constant 0 : i32
      %dma_start3A_40 = tpu.memref_slice %arg7[%dma_start3A_37, %dma_start3A_38, %dma_start3A_39] : memref<2x200x128xf32, #tpu.memory_space<vmem>> -> memref<1x200x128xf32, #tpu.memory_space<vmem>>
      %dma_start3A_41 = tpu.memref_squeeze %dma_start3A_40 : memref<1x200x128xf32, #tpu.memory_space<vmem>> -> memref<200x128xf32, #tpu.memory_space<vmem>>
      %dma_start3A_42 = arith.constant 50 : i32
      %dma_start3A_43 = arith.constant 0 : i32
      %dma_start3A_44 = tpu.memref_slice %dma_start3A_41[%dma_start3A_42, %dma_start3A_43] : memref<200x128xf32, #tpu.memory_space<vmem>> -> memref<50x128xf32, #tpu.memory_space<vmem>>
      %dma_start3A_45 = arith.constant 0 : i32
      %dma_start3A_46 = tpu.memref_slice %arg6[%add3A_36, %dma_start3A_45] : memref<32x50xi32, #tpu.memory_space<vmem>> -> memref<1x50xi32, #tpu.memory_space<vmem>>
      %dma_start3A_47 = tpu.memref_squeeze %dma_start3A_46 : memref<1x50xi32, #tpu.memory_space<vmem>> -> memref<50xi32, #tpu.memory_space<vmem>>
      %dma_start3A_48 = arith.constant 0 : i32
      %dma_start3A_49 = arith.constant 0 : i32
      %dma_start3A_50 = tpu.memref_slice %arg5[%dma_start3A_48, %dma_start3A_49] : memref<1000x128xf32, #tpu.memory_space<vmem_shared>> -> memref<1000x128xf32, #tpu.memory_space<vmem_shared>>
      tpu.enqueue_indirect_dma source(%dma_start3A_50 : memref<1000x128xf32, #tpu.memory_space<vmem_shared>>) target(%dma_start3A_44 : memref<50x128xf32, #tpu.memory_space<vmem>>) offsets(%dma_start3A_47 : memref<50xi32, #tpu.memory_space<vmem>>) semaphore(%arg9 : memref<!tpu.dma_semaphore, #tpu.memory_space<semaphore_mem>>)
      %mul3A_51 = arith.constant 4 : i32
      %mul3A_52 = arith.muli %mul3A_15, %mul3A_51 : i32
      %add3A_53 = arith.constant 2 : i32
      %add3A_54 = arith.addi %mul3A_52, %add3A_53 : i32
      %dma_start3A_55 = arith.constant 0 : i32
      %dma_start3A_56 = arith.constant 0 : i32
      %dma_start3A_57 = arith.constant 0 : i32
      %dma_start3A_58 = tpu.memref_slice %arg7[%dma_start3A_55, %dma_start3A_56, %dma_start3A_57] : memref<2x200x128xf32, #tpu.memory_space<vmem>> -> memref<1x200x128xf32, #tpu.memory_space<vmem>>
      %dma_start3A_59 = tpu.memref_squeeze %dma_start3A_58 : memref<1x200x128xf32, #tpu.memory_space<vmem>> -> memref<200x128xf32, #tpu.memory_space<vmem>>
      %dma_start3A_60 = arith.constant 100 : i32
      %dma_start3A_61 = arith.constant 0 : i32
      %dma_start3A_62 = tpu.memref_slice %dma_start3A_59[%dma_start3A_60, %dma_start3A_61] : memref<200x128xf32, #tpu.memory_space<vmem>> -> memref<50x128xf32, #tpu.memory_space<vmem>>
      %dma_start3A_63 = arith.constant 0 : i32
      %dma_start3A_64 = tpu.memref_slice %arg6[%add3A_54, %dma_start3A_63] : memref<32x50xi32, #tpu.memory_space<vmem>> -> memref<1x50xi32, #tpu.memory_space<vmem>>
      %dma_start3A_65 = tpu.memref_squeeze %dma_start3A_64 : memref<1x50xi32, #tpu.memory_space<vmem>> -> memref<50xi32, #tpu.memory_space<vmem>>
      %dma_start3A_66 = arith.constant 0 : i32
      %dma_start3A_67 = arith.constant 0 : i32
      %dma_start3A_68 = tpu.memref_slice %arg5[%dma_start3A_66, %dma_start3A_67] : memref<1000x128xf32, #tpu.memory_space<vmem_shared>> -> memref<1000x128xf32, #tpu.memory_space<vmem_shared>>
      tpu.enqueue_indirect_dma source(%dma_start3A_68 : memref<1000x128xf32, #tpu.memory_space<vmem_shared>>) target(%dma_start3A_62 : memref<50x128xf32, #tpu.memory_space<vmem>>) offsets(%dma_start3A_65 : memref<50xi32, #tpu.memory_space<vmem>>) semaphore(%arg9 : memref<!tpu.dma_semaphore, #tpu.memory_space<semaphore_mem>>)
      %mul3A_69 = arith.constant 4 : i32
      %mul3A_70 = arith.muli %mul3A_15, %mul3A_69 : i32
      %add3A_71 = arith.constant 3 : i32
      %add3A_72 = arith.addi %mul3A_70, %add3A_71 : i32
      %dma_start3A_73 = arith.constant 0 : i32
      %dma_start3A_74 = arith.constant 0 : i32
      %dma_start3A_75 = arith.constant 0 : i32
      %dma_start3A_76 = tpu.memref_slice %arg7[%dma_start3A_73, %dma_start3A_74, %dma_start3A_75] : memref<2x200x128xf32, #tpu.memory_space<vmem>> -> memref<1x200x128xf32, #tpu.memory_space<vmem>>
      %dma_start3A_77 = tpu.memref_squeeze %dma_start3A_76 : memref<1x200x128xf32, #tpu.memory_space<vmem>> -> memref<200x128xf32, #tpu.memory_space<vmem>>
      %dma_start3A_78 = arith.constant 150 : i32
      %dma_start3A_79 = arith.constant 0 : i32
      %dma_start3A_80 = tpu.memref_slice %dma_start3A_77[%dma_start3A_78, %dma_start3A_79] : memref<200x128xf32, #tpu.memory_space<vmem>> -> memref<50x128xf32, #tpu.memory_space<vmem>>
      %dma_start3A_81 = arith.constant 0 : i32
      %dma_start3A_82 = tpu.memref_slice %arg6[%add3A_72, %dma_start3A_81] : memref<32x50xi32, #tpu.memory_space<vmem>> -> memref<1x50xi32, #tpu.memory_space<vmem>>
      %dma_start3A_83 = tpu.memref_squeeze %dma_start3A_82 : memref<1x50xi32, #tpu.memory_space<vmem>> -> memref<50xi32, #tpu.memory_space<vmem>>
      %dma_start3A_84 = arith.constant 0 : i32
      %dma_start3A_85 = arith.constant 0 : i32
      %dma_start3A_86 = tpu.memref_slice %arg5[%dma_start3A_84, %dma_start3A_85] : memref<1000x128xf32, #tpu.memory_space<vmem_shared>> -> memref<1000x128xf32, #tpu.memory_space<vmem_shared>>
      tpu.enqueue_indirect_dma source(%dma_start3A_86 : memref<1000x128xf32, #tpu.memory_space<vmem_shared>>) target(%dma_start3A_80 : memref<50x128xf32, #tpu.memory_space<vmem>>) offsets(%dma_start3A_83 : memref<50xi32, #tpu.memory_space<vmem>>) semaphore(%arg9 : memref<!tpu.dma_semaphore, #tpu.memory_space<semaphore_mem>>)
      %add3A_87 = arith.constant 1 : i32
      %add3A_88 = arith.addi %mul3A_15, %add3A_87 : i32
      %mul3A_89 = arith.constant 4 : i32
      %mul3A_90 = arith.muli %add3A_88, %mul3A_89 : i32
      %add3A_91 = arith.constant 0 : i32
      %add3A_92 = arith.addi %mul3A_90, %add3A_91 : i32
      %dma_start3A_93 = arith.constant 1 : i32
      %dma_start3A_94 = arith.constant 0 : i32
      %dma_start3A_95 = arith.constant 0 : i32
      %dma_start3A_96 = tpu.memref_slice %arg7[%dma_start3A_93, %dma_start3A_94, %dma_start3A_95] : memref<2x200x128xf32, #tpu.memory_space<vmem>> -> memref<1x200x128xf32, #tpu.memory_space<vmem>>
      %dma_start3A_97 = tpu.memref_squeeze %dma_start3A_96 : memref<1x200x128xf32, #tpu.memory_space<vmem>> -> memref<200x128xf32, #tpu.memory_space<vmem>>
      %dma_start3A_98 = arith.constant 0 : i32
      %dma_start3A_99 = arith.constant 0 : i32
      %dma_start3A_100 = tpu.memref_slice %dma_start3A_97[%dma_start3A_98, %dma_start3A_99] : memref<200x128xf32, #tpu.memory_space<vmem>> -> memref<50x128xf32, #tpu.memory_space<vmem>>
      %dma_start3A_101 = arith.constant 0 : i32
      %dma_start3A_102 = tpu.memref_slice %arg6[%add3A_92, %dma_start3A_101] : memref<32x50xi32, #tpu.memory_space<vmem>> -> memref<1x50xi32, #tpu.memory_space<vmem>>
      %dma_start3A_103 = tpu.memref_squeeze %dma_start3A_102 : memref<1x50xi32, #tpu.memory_space<vmem>> -> memref<50xi32, #tpu.memory_space<vmem>>
      %dma_start3A_104 = arith.constant 0 : i32
      %dma_start3A_105 = arith.constant 0 : i32
      %dma_start3A_106 = tpu.memref_slice %arg5[%dma_start3A_104, %dma_start3A_105] : memref<1000x128xf32, #tpu.memory_space<vmem_shared>> -> memref<1000x128xf32, #tpu.memory_space<vmem_shared>>
      tpu.enqueue_indirect_dma source(%dma_start3A_106 : memref<1000x128xf32, #tpu.memory_space<vmem_shared>>) target(%dma_start3A_100 : memref<50x128xf32, #tpu.memory_space<vmem>>) offsets(%dma_start3A_103 : memref<50xi32, #tpu.memory_space<vmem>>) semaphore(%arg9 : memref<!tpu.dma_semaphore, #tpu.memory_space<semaphore_mem>>)
      %mul3A_107 = arith.constant 4 : i32
      %mul3A_108 = arith.muli %add3A_88, %mul3A_107 : i32
      %add3A_109 = arith.constant 1 : i32
      %add3A_110 = arith.addi %mul3A_108, %add3A_109 : i32
      %dma_start3A_111 = arith.constant 1 : i32
      %dma_start3A_112 = arith.constant 0 : i32
      %dma_start3A_113 = arith.constant 0 : i32
      %dma_start3A_114 = tpu.memref_slice %arg7[%dma_start3A_111, %dma_start3A_112, %dma_start3A_113] : memref<2x200x128xf32, #tpu.memory_space<vmem>> -> memref<1x200x128xf32, #tpu.memory_space<vmem>>
      %dma_start3A_115 = tpu.memref_squeeze %dma_start3A_114 : memref<1x200x128xf32, #tpu.memory_space<vmem>> -> memref<200x128xf32, #tpu.memory_space<vmem>>
      %dma_start3A_116 = arith.constant 50 : i32
      %dma_start3A_117 = arith.constant 0 : i32
      %dma_start3A_118 = tpu.memref_slice %dma_start3A_115[%dma_start3A_116, %dma_start3A_117] : memref<200x128xf32, #tpu.memory_space<vmem>> -> memref<50x128xf32, #tpu.memory_space<vmem>>
      %dma_start3A_119 = arith.constant 0 : i32
      %dma_start3A_120 = tpu.memref_slice %arg6[%add3A_110, %dma_start3A_119] : memref<32x50xi32, #tpu.memory_space<vmem>> -> memref<1x50xi32, #tpu.memory_space<vmem>>
      %dma_start3A_121 = tpu.memref_squeeze %dma_start3A_120 : memref<1x50xi32, #tpu.memory_space<vmem>> -> memref<50xi32, #tpu.memory_space<vmem>>
      %dma_start3A_122 = arith.constant 0 : i32
      %dma_start3A_123 = arith.constant 0 : i32
      %dma_start3A_124 = tpu.memref_slice %arg5[%dma_start3A_122, %dma_start3A_123] : memref<1000x128xf32, #tpu.memory_space<vmem_shared>> -> memref<1000x128xf32, #tpu.memory_space<vmem_shared>>
      tpu.enqueue_indirect_dma source(%dma_start3A_124 : memref<1000x128xf32, #tpu.memory_space<vmem_shared>>) target(%dma_start3A_118 : memref<50x128xf32, #tpu.memory_space<vmem>>) offsets(%dma_start3A_121 : memref<50xi32, #tpu.memory_space<vmem>>) semaphore(%arg9 : memref<!tpu.dma_semaphore, #tpu.memory_space<semaphore_mem>>)
      %mul3A_125 = arith.constant 4 : i32
      %mul3A_126 = arith.muli %add3A_88, %mul3A_125 : i32
      %add3A_127 = arith.constant 2 : i32
      %add3A_128 = arith.addi %mul3A_126, %add3A_127 : i32
      %dma_start3A_129 = arith.constant 1 : i32
      %dma_start3A_130 = arith.constant 0 : i32
      %dma_start3A_131 = arith.constant 0 : i32
      %dma_start3A_132 = tpu.memref_slice %arg7[%dma_start3A_129, %dma_start3A_130, %dma_start3A_131] : memref<2x200x128xf32, #tpu.memory_space<vmem>> -> memref<1x200x128xf32, #tpu.memory_space<vmem>>
      %dma_start3A_133 = tpu.memref_squeeze %dma_start3A_132 : memref<1x200x128xf32, #tpu.memory_space<vmem>> -> memref<200x128xf32, #tpu.memory_space<vmem>>
      %dma_start3A_134 = arith.constant 100 : i32
      %dma_start3A_135 = arith.constant 0 : i32
      %dma_start3A_136 = tpu.memref_slice %dma_start3A_133[%dma_start3A_134, %dma_start3A_135] : memref<200x128xf32, #tpu.memory_space<vmem>> -> memref<50x128xf32, #tpu.memory_space<vmem>>
      %dma_start3A_137 = arith.constant 0 : i32
      %dma_start3A_138 = tpu.memref_slice %arg6[%add3A_128, %dma_start3A_137] : memref<32x50xi32, #tpu.memory_space<vmem>> -> memref<1x50xi32, #tpu.memory_space<vmem>>
      %dma_start3A_139 = tpu.memref_squeeze %dma_start3A_138 : memref<1x50xi32, #tpu.memory_space<vmem>> -> memref<50xi32, #tpu.memory_space<vmem>>
      %dma_start3A_140 = arith.constant 0 : i32
      %dma_start3A_141 = arith.constant 0 : i32
      %dma_start3A_142 = tpu.memref_slice %arg5[%dma_start3A_140, %dma_start3A_141] : memref<1000x128xf32, #tpu.memory_space<vmem_shared>> -> memref<1000x128xf32, #tpu.memory_space<vmem_shared>>
      tpu.enqueue_indirect_dma source(%dma_start3A_142 : memref<1000x128xf32, #tpu.memory_space<vmem_shared>>) target(%dma_start3A_136 : memref<50x128xf32, #tpu.memory_space<vmem>>) offsets(%dma_start3A_139 : memref<50xi32, #tpu.memory_space<vmem>>) semaphore(%arg9 : memref<!tpu.dma_semaphore, #tpu.memory_space<semaphore_mem>>)
      %mul3A_143 = arith.constant 4 : i32
      %mul3A_144 = arith.muli %add3A_88, %mul3A_143 : i32
      %add3A_145 = arith.constant 3 : i32
      %add3A_146 = arith.addi %mul3A_144, %add3A_145 : i32
      %dma_start3A_147 = arith.constant 1 : i32
      %dma_start3A_148 = arith.constant 0 : i32
      %dma_start3A_149 = arith.constant 0 : i32
      %dma_start3A_150 = tpu.memref_slice %arg7[%dma_start3A_147, %dma_start3A_148, %dma_start3A_149] : memref<2x200x128xf32, #tpu.memory_space<vmem>> -> memref<1x200x128xf32, #tpu.memory_space<vmem>>
      %dma_start3A_151 = tpu.memref_squeeze %dma_start3A_150 : memref<1x200x128xf32, #tpu.memory_space<vmem>> -> memref<200x128xf32, #tpu.memory_space<vmem>>
      %dma_start3A_152 = arith.constant 150 : i32
      %dma_start3A_153 = arith.constant 0 : i32
      %dma_start3A_154 = tpu.memref_slice %dma_start3A_151[%dma_start3A_152, %dma_start3A_153] : memref<200x128xf32, #tpu.memory_space<vmem>> -> memref<50x128xf32, #tpu.memory_space<vmem>>
      %dma_start3A_155 = arith.constant 0 : i32
      %dma_start3A_156 = tpu.memref_slice %arg6[%add3A_146, %dma_start3A_155] : memref<32x50xi32, #tpu.memory_space<vmem>> -> memref<1x50xi32, #tpu.memory_space<vmem>>
      %dma_start3A_157 = tpu.memref_squeeze %dma_start3A_156 : memref<1x50xi32, #tpu.memory_space<vmem>> -> memref<50xi32, #tpu.memory_space<vmem>>
      %dma_start3A_158 = arith.constant 0 : i32
      %dma_start3A_159 = arith.constant 0 : i32
      %dma_start3A_160 = tpu.memref_slice %arg5[%dma_start3A_158, %dma_start3A_159] : memref<1000x128xf32, #tpu.memory_space<vmem_shared>> -> memref<1000x128xf32, #tpu.memory_space<vmem_shared>>
      tpu.enqueue_indirect_dma source(%dma_start3A_160 : memref<1000x128xf32, #tpu.memory_space<vmem_shared>>) target(%dma_start3A_154 : memref<50x128xf32, #tpu.memory_space<vmem>>) offsets(%dma_start3A_157 : memref<50xi32, #tpu.memory_space<vmem>>) semaphore(%arg9 : memref<!tpu.dma_semaphore, #tpu.memory_space<semaphore_mem>>)
      %dma_wait3A = arith.constant 0 : i32
      %dma_wait3A_161 = arith.constant 0 : i32
      %dma_wait3A_162 = arith.constant 0 : i32
      %dma_wait3A_163 = tpu.memref_slice %arg7[%dma_wait3A, %dma_wait3A_161, %dma_wait3A_162] : memref<2x200x128xf32, #tpu.memory_space<vmem>> -> memref<1x200x128xf32, #tpu.memory_space<vmem>>
      %dma_wait3A_164 = tpu.memref_squeeze %dma_wait3A_163 : memref<1x200x128xf32, #tpu.memory_space<vmem>> -> memref<200x128xf32, #tpu.memory_space<vmem>>
      %dma_wait3A_165 = arith.constant 0 : i32
      %dma_wait3A_166 = arith.constant 0 : i32
      %dma_wait3A_167 = tpu.memref_slice %dma_wait3A_164[%dma_wait3A_165, %dma_wait3A_166] : memref<200x128xf32, #tpu.memory_space<vmem>> -> memref<50x128xf32, #tpu.memory_space<vmem>>
      %dma_wait3A_168 = arith.constant 0 : i32
      %dma_wait3A_169 = tpu.memref_slice %arg6[%add3A_19, %dma_wait3A_168] : memref<32x50xi32, #tpu.memory_space<vmem>> -> memref<1x50xi32, #tpu.memory_space<vmem>>
      %dma_wait3A_170 = tpu.memref_squeeze %dma_wait3A_169 : memref<1x50xi32, #tpu.memory_space<vmem>> -> memref<50xi32, #tpu.memory_space<vmem>>
      %dma_wait3A_171 = arith.constant 0 : i32
      %dma_wait3A_172 = arith.constant 0 : i32
      %dma_wait3A_173 = tpu.memref_slice %arg5[%dma_wait3A_171, %dma_wait3A_172] : memref<1000x128xf32, #tpu.memory_space<vmem_shared>> -> memref<1000x128xf32, #tpu.memory_space<vmem_shared>>
      tpu.wait_indirect_dma semaphore(%arg9 : memref<!tpu.dma_semaphore, #tpu.memory_space<semaphore_mem>>) src(%dma_wait3A_173 : memref<1000x128xf32, #tpu.memory_space<vmem_shared>>) dst(%dma_wait3A_167 : memref<50x128xf32, #tpu.memory_space<vmem>>)
      %dma_wait3A_174 = arith.constant 0 : i32
      %dma_wait3A_175 = arith.constant 0 : i32
      %dma_wait3A_176 = arith.constant 0 : i32
      %dma_wait3A_177 = tpu.memref_slice %arg7[%dma_wait3A_174, %dma_wait3A_175, %dma_wait3A_176] : memref<2x200x128xf32, #tpu.memory_space<vmem>> -> memref<1x200x128xf32, #tpu.memory_space<vmem>>
      %dma_wait3A_178 = tpu.memref_squeeze %dma_wait3A_177 : memref<1x200x128xf32, #tpu.memory_space<vmem>> -> memref<200x128xf32, #tpu.memory_space<vmem>>
      %dma_wait3A_179 = arith.constant 50 : i32
      %dma_wait3A_180 = arith.constant 0 : i32
      %dma_wait3A_181 = tpu.memref_slice %dma_wait3A_178[%dma_wait3A_179, %dma_wait3A_180] : memref<200x128xf32, #tpu.memory_space<vmem>> -> memref<50x128xf32, #tpu.memory_space<vmem>>
      %dma_wait3A_182 = arith.constant 0 : i32
      %dma_wait3A_183 = tpu.memref_slice %arg6[%add3A_36, %dma_wait3A_182] : memref<32x50xi32, #tpu.memory_space<vmem>> -> memref<1x50xi32, #tpu.memory_space<vmem>>
      %dma_wait3A_184 = tpu.memref_squeeze %dma_wait3A_183 : memref<1x50xi32, #tpu.memory_space<vmem>> -> memref<50xi32, #tpu.memory_space<vmem>>
      %dma_wait3A_185 = arith.constant 0 : i32
      %dma_wait3A_186 = arith.constant 0 : i32
      %dma_wait3A_187 = tpu.memref_slice %arg5[%dma_wait3A_185, %dma_wait3A_186] : memref<1000x128xf32, #tpu.memory_space<vmem_shared>> -> memref<1000x128xf32, #tpu.memory_space<vmem_shared>>
      tpu.wait_indirect_dma semaphore(%arg9 : memref<!tpu.dma_semaphore, #tpu.memory_space<semaphore_mem>>) src(%dma_wait3A_187 : memref<1000x128xf32, #tpu.memory_space<vmem_shared>>) dst(%dma_wait3A_181 : memref<50x128xf32, #tpu.memory_space<vmem>>)
      %dma_wait3A_188 = arith.constant 0 : i32
      %dma_wait3A_189 = arith.constant 0 : i32
      %dma_wait3A_190 = arith.constant 0 : i32
      %dma_wait3A_191 = tpu.memref_slice %arg7[%dma_wait3A_188, %dma_wait3A_189, %dma_wait3A_190] : memref<2x200x128xf32, #tpu.memory_space<vmem>> -> memref<1x200x128xf32, #tpu.memory_space<vmem>>
      %dma_wait3A_192 = tpu.memref_squeeze %dma_wait3A_191 : memref<1x200x128xf32, #tpu.memory_space<vmem>> -> memref<200x128xf32, #tpu.memory_space<vmem>>
      %dma_wait3A_193 = arith.constant 100 : i32
      %dma_wait3A_194 = arith.constant 0 : i32
      %dma_wait3A_195 = tpu.memref_slice %dma_wait3A_192[%dma_wait3A_193, %dma_wait3A_194] : memref<200x128xf32, #tpu.memory_space<vmem>> -> memref<50x128xf32, #tpu.memory_space<vmem>>
      %dma_wait3A_196 = arith.constant 0 : i32
      %dma_wait3A_197 = tpu.memref_slice %arg6[%add3A_54, %dma_wait3A_196] : memref<32x50xi32, #tpu.memory_space<vmem>> -> memref<1x50xi32, #tpu.memory_space<vmem>>
      %dma_wait3A_198 = tpu.memref_squeeze %dma_wait3A_197 : memref<1x50xi32, #tpu.memory_space<vmem>> -> memref<50xi32, #tpu.memory_space<vmem>>
      %dma_wait3A_199 = arith.constant 0 : i32
      %dma_wait3A_200 = arith.constant 0 : i32
      %dma_wait3A_201 = tpu.memref_slice %arg5[%dma_wait3A_199, %dma_wait3A_200] : memref<1000x128xf32, #tpu.memory_space<vmem_shared>> -> memref<1000x128xf32, #tpu.memory_space<vmem_shared>>
      tpu.wait_indirect_dma semaphore(%arg9 : memref<!tpu.dma_semaphore, #tpu.memory_space<semaphore_mem>>) src(%dma_wait3A_201 : memref<1000x128xf32, #tpu.memory_space<vmem_shared>>) dst(%dma_wait3A_195 : memref<50x128xf32, #tpu.memory_space<vmem>>)
      %dma_wait3A_202 = arith.constant 0 : i32
      %dma_wait3A_203 = arith.constant 0 : i32
      %dma_wait3A_204 = arith.constant 0 : i32
      %dma_wait3A_205 = tpu.memref_slice %arg7[%dma_wait3A_202, %dma_wait3A_203, %dma_wait3A_204] : memref<2x200x128xf32, #tpu.memory_space<vmem>> -> memref<1x200x128xf32, #tpu.memory_space<vmem>>
      %dma_wait3A_206 = tpu.memref_squeeze %dma_wait3A_205 : memref<1x200x128xf32, #tpu.memory_space<vmem>> -> memref<200x128xf32, #tpu.memory_space<vmem>>
      %dma_wait3A_207 = arith.constant 150 : i32
      %dma_wait3A_208 = arith.constant 0 : i32
      %dma_wait3A_209 = tpu.memref_slice %dma_wait3A_206[%dma_wait3A_207, %dma_wait3A_208] : memref<200x128xf32, #tpu.memory_space<vmem>> -> memref<50x128xf32, #tpu.memory_space<vmem>>
      %dma_wait3A_210 = arith.constant 0 : i32
      %dma_wait3A_211 = tpu.memref_slice %arg6[%add3A_72, %dma_wait3A_210] : memref<32x50xi32, #tpu.memory_space<vmem>> -> memref<1x50xi32, #tpu.memory_space<vmem>>
      %dma_wait3A_212 = tpu.memref_squeeze %dma_wait3A_211 : memref<1x50xi32, #tpu.memory_space<vmem>> -> memref<50xi32, #tpu.memory_space<vmem>>
      %dma_wait3A_213 = arith.constant 0 : i32
      %dma_wait3A_214 = arith.constant 0 : i32
      %dma_wait3A_215 = tpu.memref_slice %arg5[%dma_wait3A_213, %dma_wait3A_214] : memref<1000x128xf32, #tpu.memory_space<vmem_shared>> -> memref<1000x128xf32, #tpu.memory_space<vmem_shared>>
      tpu.wait_indirect_dma semaphore(%arg9 : memref<!tpu.dma_semaphore, #tpu.memory_space<semaphore_mem>>) src(%dma_wait3A_215 : memref<1000x128xf32, #tpu.memory_space<vmem_shared>>) dst(%dma_wait3A_209 : memref<50x128xf32, #tpu.memory_space<vmem>>)
      %scan3A_216 = arith.constant 0 : i32
      %scan3A_217 = arith.constant 50 : i32
      %scan3A_218 = arith.addi %scan3A_216, %scan3A_217 : i32
      %scan3A_219 = arith.constant 1 : i32
      scf.for %scan3A_388 = %scan3A_216 to %scan3A_218 step %scan3A_219  : i32 {
        %mul3A_389 = arith.constant 1 : i32
        %mul3A_390 = arith.muli %scan3A_388, %mul3A_389 : i32
        %add3A_391 = arith.constant 0 : i32
        %add3A_392 = arith.addi %add3A_391, %mul3A_390 : i32
        %add3A_393 = arith.constant 0 : i32
        %add3A_394 = arith.addi %add3A_393, %add3A_392 : i32
        %get3A = arith.constant 0 : i32
        %get3A_395 = arith.index_cast %get3A : i32 to index
        %get3A_396 = arith.index_cast %add3A_394 : i32 to index
        %get3A_397 = arith.constant 0 : index
        %get3A_398 = tpu.vector_load %arg7[%get3A_395, %get3A_396, %get3A_397] {strides = array<i32>} : memref<2x200x128xf32, #tpu.memory_space<vmem>>, vector<1x1x16xf32>,
        %get3A_399 = vector.shape_cast %get3A_398 : vector<1x1x16xf32> to vector<16xf32>
        %swap3A = arith.constant 0 : i32
        %swap3A_400 = arith.constant 0 : i32
        %swap3A_401 = arith.index_cast %swap3A : i32 to index
        %swap3A_402 = arith.index_cast %swap3A_400 : i32 to index
        %swap3A_403 = arith.index_cast %add3A_392 : i32 to index
        %swap3A_404 = arith.constant 0 : index
        %swap3A_405 = tpu.vector_load %arg8[%swap3A_401, %swap3A_402, %swap3A_403, %swap3A_404] {strides = array<i32>} : memref<2x4x50x64xf32, #tpu.memory_space<vmem>>, vector<1x1x1x16xf32>,
        %swap3A_406 = vector.shape_cast %swap3A_405 : vector<1x1x1x16xf32> to vector<16xf32>
        %swap3A_407 = vector.shape_cast %get3A_399 : vector<16xf32> to vector<1x1x1x16xf32>
        tpu.vector_store %arg8[%swap3A_401, %swap3A_402, %swap3A_403, %swap3A_404], %swap3A_407 {strides = array<i32>} : memref<2x4x50x64xf32, #tpu.memory_space<vmem>>, vector<1x1x1x16xf32>,
        %add3A_408 = arith.constant 0 : i32
        %add3A_409 = arith.addi %add3A_408, %add3A_392 : i32
        %get3A_410 = arith.constant 0 : i32
        %get3A_411 = arith.index_cast %get3A_410 : i32 to index
        %get3A_412 = arith.index_cast %add3A_409 : i32 to index
        %get3A_413 = arith.constant 16 : index
        %get3A_414 = tpu.vector_load %arg7[%get3A_411, %get3A_412, %get3A_413] {strides = array<i32>} : memref<2x200x128xf32, #tpu.memory_space<vmem>>, vector<1x1x16xf32>,
        %get3A_415 = vector.shape_cast %get3A_414 : vector<1x1x16xf32> to vector<16xf32>
        %swap3A_416 = arith.constant 0 : i32
        %swap3A_417 = arith.constant 0 : i32
        %swap3A_418 = arith.index_cast %swap3A_416 : i32 to index
        %swap3A_419 = arith.index_cast %swap3A_417 : i32 to index
        %swap3A_420 = arith.index_cast %add3A_392 : i32 to index
        %swap3A_421 = arith.constant 16 : index
        %swap3A_422 = tpu.vector_load %arg8[%swap3A_418, %swap3A_419, %swap3A_420, %swap3A_421] {strides = array<i32>} : memref<2x4x50x64xf32, #tpu.memory_space<vmem>>, vector<1x1x1x16xf32>,
        %swap3A_423 = vector.shape_cast %swap3A_422 : vector<1x1x1x16xf32> to vector<16xf32>
        %swap3A_424 = vector.shape_cast %get3A_415 : vector<16xf32> to vector<1x1x1x16xf32>
        tpu.vector_store %arg8[%swap3A_418, %swap3A_419, %swap3A_420, %swap3A_421], %swap3A_424 {strides = array<i32>} : memref<2x4x50x64xf32, #tpu.memory_space<vmem>>, vector<1x1x1x16xf32>,
        %add3A_425 = arith.constant 0 : i32
        %add3A_426 = arith.addi %add3A_425, %add3A_392 : i32
        %get3A_427 = arith.constant 0 : i32
        %get3A_428 = arith.index_cast %get3A_427 : i32 to index
        %get3A_429 = arith.index_cast %add3A_426 : i32 to index
        %get3A_430 = arith.constant 32 : index
        %get3A_431 = tpu.vector_load %arg7[%get3A_428, %get3A_429, %get3A_430] {strides = array<i32>} : memref<2x200x128xf32, #tpu.memory_space<vmem>>, vector<1x1x16xf32>,
        %get3A_432 = vector.shape_cast %get3A_431 : vector<1x1x16xf32> to vector<16xf32>
        %swap3A_433 = arith.constant 0 : i32
        %swap3A_434 = arith.constant 0 : i32
        %swap3A_435 = arith.index_cast %swap3A_433 : i32 to index
        %swap3A_436 = arith.index_cast %swap3A_434 : i32 to index
        %swap3A_437 = arith.index_cast %add3A_392 : i32 to index
        %swap3A_438 = arith.constant 32 : index
        %swap3A_439 = tpu.vector_load %arg8[%swap3A_435, %swap3A_436, %swap3A_437, %swap3A_438] {strides = array<i32>} : memref<2x4x50x64xf32, #tpu.memory_space<vmem>>, vector<1x1x1x16xf32>,
        %swap3A_440 = vector.shape_cast %swap3A_439 : vector<1x1x1x16xf32> to vector<16xf32>
        %swap3A_441 = vector.shape_cast %get3A_432 : vector<16xf32> to vector<1x1x1x16xf32>
        tpu.vector_store %arg8[%swap3A_435, %swap3A_436, %swap3A_437, %swap3A_438], %swap3A_441 {strides = array<i32>} : memref<2x4x50x64xf32, #tpu.memory_space<vmem>>, vector<1x1x1x16xf32>,
        %add3A_442 = arith.constant 0 : i32
        %add3A_443 = arith.addi %add3A_442, %add3A_392 : i32
        %get3A_444 = arith.constant 0 : i32
        %get3A_445 = arith.index_cast %get3A_444 : i32 to index
        %get3A_446 = arith.index_cast %add3A_443 : i32 to index
        %get3A_447 = arith.constant 48 : index
        %get3A_448 = tpu.vector_load %arg7[%get3A_445, %get3A_446, %get3A_447] {strides = array<i32>} : memref<2x200x128xf32, #tpu.memory_space<vmem>>, vector<1x1x16xf32>,
        %get3A_449 = vector.shape_cast %get3A_448 : vector<1x1x16xf32> to vector<16xf32>
        %swap3A_450 = arith.constant 0 : i32
        %swap3A_451 = arith.constant 0 : i32
        %swap3A_452 = arith.index_cast %swap3A_450 : i32 to index
        %swap3A_453 = arith.index_cast %swap3A_451 : i32 to index
        %swap3A_454 = arith.index_cast %add3A_392 : i32 to index
        %swap3A_455 = arith.constant 48 : index
        %swap3A_456 = tpu.vector_load %arg8[%swap3A_452, %swap3A_453, %swap3A_454, %swap3A_455] {strides = array<i32>} : memref<2x4x50x64xf32, #tpu.memory_space<vmem>>, vector<1x1x1x16xf32>,
        %swap3A_457 = vector.shape_cast %swap3A_456 : vector<1x1x1x16xf32> to vector<16xf32>
        %swap3A_458 = vector.shape_cast %get3A_449 : vector<16xf32> to vector<1x1x1x16xf32>
        tpu.vector_store %arg8[%swap3A_452, %swap3A_453, %swap3A_454, %swap3A_455], %swap3A_458 {strides = array<i32>} : memref<2x4x50x64xf32, #tpu.memory_space<vmem>>, vector<1x1x1x16xf32>,
      }
      %scan3A_220 = arith.constant 50 : i32
      %scan3A_221 = arith.constant 0 : i32
      %scan3A_222 = arith.constant 50 : i32
      %scan3A_223 = arith.addi %scan3A_221, %scan3A_222 : i32
      %scan3A_224 = arith.constant 1 : i32
      scf.for %scan3A_388 = %scan3A_221 to %scan3A_223 step %scan3A_224  : i32 {
        %mul3A_389 = arith.constant 1 : i32
        %mul3A_390 = arith.muli %scan3A_388, %mul3A_389 : i32
        %add3A_391 = arith.constant 0 : i32
        %add3A_392 = arith.addi %add3A_391, %mul3A_390 : i32
        %add3A_393 = arith.constant 50 : i32
        %add3A_394 = arith.addi %add3A_393, %add3A_392 : i32
        %get3A = arith.constant 0 : i32
        %get3A_395 = arith.index_cast %get3A : i32 to index
        %get3A_396 = arith.index_cast %add3A_394 : i32 to index
        %get3A_397 = arith.constant 0 : index
        %get3A_398 = tpu.vector_load %arg7[%get3A_395, %get3A_396, %get3A_397] {strides = array<i32>} : memref<2x200x128xf32, #tpu.memory_space<vmem>>, vector<1x1x16xf32>,
        %get3A_399 = vector.shape_cast %get3A_398 : vector<1x1x16xf32> to vector<16xf32>
        %swap3A = arith.constant 0 : i32
        %swap3A_400 = arith.constant 1 : i32
        %swap3A_401 = arith.index_cast %swap3A : i32 to index
        %swap3A_402 = arith.index_cast %swap3A_400 : i32 to index
        %swap3A_403 = arith.index_cast %add3A_392 : i32 to index
        %swap3A_404 = arith.constant 0 : index
        %swap3A_405 = tpu.vector_load %arg8[%swap3A_401, %swap3A_402, %swap3A_403, %swap3A_404] {strides = array<i32>} : memref<2x4x50x64xf32, #tpu.memory_space<vmem>>, vector<1x1x1x16xf32>,
        %swap3A_406 = vector.shape_cast %swap3A_405 : vector<1x1x1x16xf32> to vector<16xf32>
        %swap3A_407 = vector.shape_cast %get3A_399 : vector<16xf32> to vector<1x1x1x16xf32>
        tpu.vector_store %arg8[%swap3A_401, %swap3A_402, %swap3A_403, %swap3A_404], %swap3A_407 {strides = array<i32>} : memref<2x4x50x64xf32, #tpu.memory_space<vmem>>, vector<1x1x1x16xf32>,
        %add3A_408 = arith.constant 50 : i32
        %add3A_409 = arith.addi %add3A_408, %add3A_392 : i32
        %get3A_410 = arith.constant 0 : i32
        %get3A_411 = arith.index_cast %get3A_410 : i32 to index
        %get3A_412 = arith.index_cast %add3A_409 : i32 to index
        %get3A_413 = arith.constant 16 : index
        %get3A_414 = tpu.vector_load %arg7[%get3A_411, %get3A_412, %get3A_413] {strides = array<i32>} : memref<2x200x128xf32, #tpu.memory_space<vmem>>, vector<1x1x16xf32>,
        %get3A_415 = vector.shape_cast %get3A_414 : vector<1x1x16xf32> to vector<16xf32>
        %swap3A_416 = arith.constant 0 : i32
        %swap3A_417 = arith.constant 1 : i32
        %swap3A_418 = arith.index_cast %swap3A_416 : i32 to index
        %swap3A_419 = arith.index_cast %swap3A_417 : i32 to index
        %swap3A_420 = arith.index_cast %add3A_392 : i32 to index
        %swap3A_421 = arith.constant 16 : index
        %swap3A_422 = tpu.vector_load %arg8[%swap3A_418, %swap3A_419, %swap3A_420, %swap3A_421] {strides = array<i32>} : memref<2x4x50x64xf32, #tpu.memory_space<vmem>>, vector<1x1x1x16xf32>,
        %swap3A_423 = vector.shape_cast %swap3A_422 : vector<1x1x1x16xf32> to vector<16xf32>
        %swap3A_424 = vector.shape_cast %get3A_415 : vector<16xf32> to vector<1x1x1x16xf32>
        tpu.vector_store %arg8[%swap3A_418, %swap3A_419, %swap3A_420, %swap3A_421], %swap3A_424 {strides = array<i32>} : memref<2x4x50x64xf32, #tpu.memory_space<vmem>>, vector<1x1x1x16xf32>,
        %add3A_425 = arith.constant 50 : i32
        %add3A_426 = arith.addi %add3A_425, %add3A_392 : i32
        %get3A_427 = arith.constant 0 : i32
        %get3A_428 = arith.index_cast %get3A_427 : i32 to index
        %get3A_429 = arith.index_cast %add3A_426 : i32 to index
        %get3A_430 = arith.constant 32 : index
        %get3A_431 = tpu.vector_load %arg7[%get3A_428, %get3A_429, %get3A_430] {strides = array<i32>} : memref<2x200x128xf32, #tpu.memory_space<vmem>>, vector<1x1x16xf32>,
        %get3A_432 = vector.shape_cast %get3A_431 : vector<1x1x16xf32> to vector<16xf32>
        %swap3A_433 = arith.constant 0 : i32
        %swap3A_434 = arith.constant 1 : i32
        %swap3A_435 = arith.index_cast %swap3A_433 : i32 to index
        %swap3A_436 = arith.index_cast %swap3A_434 : i32 to index
        %swap3A_437 = arith.index_cast %add3A_392 : i32 to index
        %swap3A_438 = arith.constant 32 : index
        %swap3A_439 = tpu.vector_load %arg8[%swap3A_435, %swap3A_436, %swap3A_437, %swap3A_438] {strides = array<i32>} : memref<2x4x50x64xf32, #tpu.memory_space<vmem>>, vector<1x1x1x16xf32>,
        %swap3A_440 = vector.shape_cast %swap3A_439 : vector<1x1x1x16xf32> to vector<16xf32>
        %swap3A_441 = vector.shape_cast %get3A_432 : vector<16xf32> to vector<1x1x1x16xf32>
        tpu.vector_store %arg8[%swap3A_435, %swap3A_436, %swap3A_437, %swap3A_438], %swap3A_441 {strides = array<i32>} : memref<2x4x50x64xf32, #tpu.memory_space<vmem>>, vector<1x1x1x16xf32>,
        %add3A_442 = arith.constant 50 : i32
        %add3A_443 = arith.addi %add3A_442, %add3A_392 : i32
        %get3A_444 = arith.constant 0 : i32
        %get3A_445 = arith.index_cast %get3A_444 : i32 to index
        %get3A_446 = arith.index_cast %add3A_443 : i32 to index
        %get3A_447 = arith.constant 48 : index
        %get3A_448 = tpu.vector_load %arg7[%get3A_445, %get3A_446, %get3A_447] {strides = array<i32>} : memref<2x200x128xf32, #tpu.memory_space<vmem>>, vector<1x1x16xf32>,
        %get3A_449 = vector.shape_cast %get3A_448 : vector<1x1x16xf32> to vector<16xf32>
        %swap3A_450 = arith.constant 0 : i32
        %swap3A_451 = arith.constant 1 : i32
        %swap3A_452 = arith.index_cast %swap3A_450 : i32 to index
        %swap3A_453 = arith.index_cast %swap3A_451 : i32 to index
        %swap3A_454 = arith.index_cast %add3A_392 : i32 to index
        %swap3A_455 = arith.constant 48 : index
        %swap3A_456 = tpu.vector_load %arg8[%swap3A_452, %swap3A_453, %swap3A_454, %swap3A_455] {strides = array<i32>} : memref<2x4x50x64xf32, #tpu.memory_space<vmem>>, vector<1x1x1x16xf32>,
        %swap3A_457 = vector.shape_cast %swap3A_456 : vector<1x1x1x16xf32> to vector<16xf32>
        %swap3A_458 = vector.shape_cast %get3A_449 : vector<16xf32> to vector<1x1x1x16xf32>
        tpu.vector_store %arg8[%swap3A_452, %swap3A_453, %swap3A_454, %swap3A_455], %swap3A_458 {strides = array<i32>} : memref<2x4x50x64xf32, #tpu.memory_space<vmem>>, vector<1x1x1x16xf32>,
      }
      %scan3A_225 = arith.constant 50 : i32
      %scan3A_226 = arith.constant 0 : i32
      %scan3A_227 = arith.constant 50 : i32
      %scan3A_228 = arith.addi %scan3A_226, %scan3A_227 : i32
      %scan3A_229 = arith.constant 1 : i32
      scf.for %scan3A_388 = %scan3A_226 to %scan3A_228 step %scan3A_229  : i32 {
        %mul3A_389 = arith.constant 1 : i32
        %mul3A_390 = arith.muli %scan3A_388, %mul3A_389 : i32
        %add3A_391 = arith.constant 0 : i32
        %add3A_392 = arith.addi %add3A_391, %mul3A_390 : i32
        %add3A_393 = arith.constant 100 : i32
        %add3A_394 = arith.addi %add3A_393, %add3A_392 : i32
        %get3A = arith.constant 0 : i32
        %get3A_395 = arith.index_cast %get3A : i32 to index
        %get3A_396 = arith.index_cast %add3A_394 : i32 to index
        %get3A_397 = arith.constant 0 : index
        %get3A_398 = tpu.vector_load %arg7[%get3A_395, %get3A_396, %get3A_397] {strides = array<i32>} : memref<2x200x128xf32, #tpu.memory_space<vmem>>, vector<1x1x16xf32>,
        %get3A_399 = vector.shape_cast %get3A_398 : vector<1x1x16xf32> to vector<16xf32>
        %swap3A = arith.constant 0 : i32
        %swap3A_400 = arith.constant 2 : i32
        %swap3A_401 = arith.index_cast %swap3A : i32 to index
        %swap3A_402 = arith.index_cast %swap3A_400 : i32 to index
        %swap3A_403 = arith.index_cast %add3A_392 : i32 to index
        %swap3A_404 = arith.constant 0 : index
        %swap3A_405 = tpu.vector_load %arg8[%swap3A_401, %swap3A_402, %swap3A_403, %swap3A_404] {strides = array<i32>} : memref<2x4x50x64xf32, #tpu.memory_space<vmem>>, vector<1x1x1x16xf32>,
        %swap3A_406 = vector.shape_cast %swap3A_405 : vector<1x1x1x16xf32> to vector<16xf32>
        %swap3A_407 = vector.shape_cast %get3A_399 : vector<16xf32> to vector<1x1x1x16xf32>
        tpu.vector_store %arg8[%swap3A_401, %swap3A_402, %swap3A_403, %swap3A_404], %swap3A_407 {strides = array<i32>} : memref<2x4x50x64xf32, #tpu.memory_space<vmem>>, vector<1x1x1x16xf32>,
        %add3A_408 = arith.constant 100 : i32
        %add3A_409 = arith.addi %add3A_408, %add3A_392 : i32
        %get3A_410 = arith.constant 0 : i32
        %get3A_411 = arith.index_cast %get3A_410 : i32 to index
        %get3A_412 = arith.index_cast %add3A_409 : i32 to index
        %get3A_413 = arith.constant 16 : index
        %get3A_414 = tpu.vector_load %arg7[%get3A_411, %get3A_412, %get3A_413] {strides = array<i32>} : memref<2x200x128xf32, #tpu.memory_space<vmem>>, vector<1x1x16xf32>,
        %get3A_415 = vector.shape_cast %get3A_414 : vector<1x1x16xf32> to vector<16xf32>
        %swap3A_416 = arith.constant 0 : i32
        %swap3A_417 = arith.constant 2 : i32
        %swap3A_418 = arith.index_cast %swap3A_416 : i32 to index
        %swap3A_419 = arith.index_cast %swap3A_417 : i32 to index
        %swap3A_420 = arith.index_cast %add3A_392 : i32 to index
        %swap3A_421 = arith.constant 16 : index
        %swap3A_422 = tpu.vector_load %arg8[%swap3A_418, %swap3A_419, %swap3A_420, %swap3A_421] {strides = array<i32>} : memref<2x4x50x64xf32, #tpu.memory_space<vmem>>, vector<1x1x1x16xf32>,
        %swap3A_423 = vector.shape_cast %swap3A_422 : vector<1x1x1x16xf32> to vector<16xf32>
        %swap3A_424 = vector.shape_cast %get3A_415 : vector<16xf32> to vector<1x1x1x16xf32>
        tpu.vector_store %arg8[%swap3A_418, %swap3A_419, %swap3A_420, %swap3A_421], %swap3A_424 {strides = array<i32>} : memref<2x4x50x64xf32, #tpu.memory_space<vmem>>, vector<1x1x1x16xf32>,
        %add3A_425 = arith.constant 100 : i32
        %add3A_426 = arith.addi %add3A_425, %add3A_392 : i32
        %get3A_427 = arith.constant 0 : i32
        %get3A_428 = arith.index_cast %get3A_427 : i32 to index
        %get3A_429 = arith.index_cast %add3A_426 : i32 to index
        %get3A_430 = arith.constant 32 : index
        %get3A_431 = tpu.vector_load %arg7[%get3A_428, %get3A_429, %get3A_430] {strides = array<i32>} : memref<2x200x128xf32, #tpu.memory_space<vmem>>, vector<1x1x16xf32>,
        %get3A_432 = vector.shape_cast %get3A_431 : vector<1x1x16xf32> to vector<16xf32>
        %swap3A_433 = arith.constant 0 : i32
        %swap3A_434 = arith.constant 2 : i32
        %swap3A_435 = arith.index_cast %swap3A_433 : i32 to index
        %swap3A_436 = arith.index_cast %swap3A_434 : i32 to index
        %swap3A_437 = arith.index_cast %add3A_392 : i32 to index
        %swap3A_438 = arith.constant 32 : index
        %swap3A_439 = tpu.vector_load %arg8[%swap3A_435, %swap3A_436, %swap3A_437, %swap3A_438] {strides = array<i32>} : memref<2x4x50x64xf32, #tpu.memory_space<vmem>>, vector<1x1x1x16xf32>,
        %swap3A_440 = vector.shape_cast %swap3A_439 : vector<1x1x1x16xf32> to vector<16xf32>
        %swap3A_441 = vector.shape_cast %get3A_432 : vector<16xf32> to vector<1x1x1x16xf32>
        tpu.vector_store %arg8[%swap3A_435, %swap3A_436, %swap3A_437, %swap3A_438], %swap3A_441 {strides = array<i32>} : memref<2x4x50x64xf32, #tpu.memory_space<vmem>>, vector<1x1x1x16xf32>,
        %add3A_442 = arith.constant 100 : i32
        %add3A_443 = arith.addi %add3A_442, %add3A_392 : i32
        %get3A_444 = arith.constant 0 : i32
        %get3A_445 = arith.index_cast %get3A_444 : i32 to index
        %get3A_446 = arith.index_cast %add3A_443 : i32 to index
        %get3A_447 = arith.constant 48 : index
        %get3A_448 = tpu.vector_load %arg7[%get3A_445, %get3A_446, %get3A_447] {strides = array<i32>} : memref<2x200x128xf32, #tpu.memory_space<vmem>>, vector<1x1x16xf32>,
        %get3A_449 = vector.shape_cast %get3A_448 : vector<1x1x16xf32> to vector<16xf32>
        %swap3A_450 = arith.constant 0 : i32
        %swap3A_451 = arith.constant 2 : i32
        %swap3A_452 = arith.index_cast %swap3A_450 : i32 to index
        %swap3A_453 = arith.index_cast %swap3A_451 : i32 to index
        %swap3A_454 = arith.index_cast %add3A_392 : i32 to index
        %swap3A_455 = arith.constant 48 : index
        %swap3A_456 = tpu.vector_load %arg8[%swap3A_452, %swap3A_453, %swap3A_454, %swap3A_455] {strides = array<i32>} : memref<2x4x50x64xf32, #tpu.memory_space<vmem>>, vector<1x1x1x16xf32>,
        %swap3A_457 = vector.shape_cast %swap3A_456 : vector<1x1x1x16xf32> to vector<16xf32>
        %swap3A_458 = vector.shape_cast %get3A_449 : vector<16xf32> to vector<1x1x1x16xf32>
        tpu.vector_store %arg8[%swap3A_452, %swap3A_453, %swap3A_454, %swap3A_455], %swap3A_458 {strides = array<i32>} : memref<2x4x50x64xf32, #tpu.memory_space<vmem>>, vector<1x1x1x16xf32>,
      }
      %scan3A_230 = arith.constant 50 : i32
      %scan3A_231 = arith.constant 0 : i32
      %scan3A_232 = arith.constant 50 : i32
      %scan3A_233 = arith.addi %scan3A_231, %scan3A_232 : i32
      %scan3A_234 = arith.constant 1 : i32
      scf.for %scan3A_388 = %scan3A_231 to %scan3A_233 step %scan3A_234  : i32 {
        %mul3A_389 = arith.constant 1 : i32
        %mul3A_390 = arith.muli %scan3A_388, %mul3A_389 : i32
        %add3A_391 = arith.constant 0 : i32
        %add3A_392 = arith.addi %add3A_391, %mul3A_390 : i32
        %add3A_393 = arith.constant 150 : i32
        %add3A_394 = arith.addi %add3A_393, %add3A_392 : i32
        %get3A = arith.constant 0 : i32
        %get3A_395 = arith.index_cast %get3A : i32 to index
        %get3A_396 = arith.index_cast %add3A_394 : i32 to index
        %get3A_397 = arith.constant 0 : index
        %get3A_398 = tpu.vector_load %arg7[%get3A_395, %get3A_396, %get3A_397] {strides = array<i32>} : memref<2x200x128xf32, #tpu.memory_space<vmem>>, vector<1x1x16xf32>,
        %get3A_399 = vector.shape_cast %get3A_398 : vector<1x1x16xf32> to vector<16xf32>
        %swap3A = arith.constant 0 : i32
        %swap3A_400 = arith.constant 3 : i32
        %swap3A_401 = arith.index_cast %swap3A : i32 to index
        %swap3A_402 = arith.index_cast %swap3A_400 : i32 to index
        %swap3A_403 = arith.index_cast %add3A_392 : i32 to index
        %swap3A_404 = arith.constant 0 : index
        %swap3A_405 = tpu.vector_load %arg8[%swap3A_401, %swap3A_402, %swap3A_403, %swap3A_404] {strides = array<i32>} : memref<2x4x50x64xf32, #tpu.memory_space<vmem>>, vector<1x1x1x16xf32>,
        %swap3A_406 = vector.shape_cast %swap3A_405 : vector<1x1x1x16xf32> to vector<16xf32>
        %swap3A_407 = vector.shape_cast %get3A_399 : vector<16xf32> to vector<1x1x1x16xf32>
        tpu.vector_store %arg8[%swap3A_401, %swap3A_402, %swap3A_403, %swap3A_404], %swap3A_407 {strides = array<i32>} : memref<2x4x50x64xf32, #tpu.memory_space<vmem>>, vector<1x1x1x16xf32>,
        %add3A_408 = arith.constant 150 : i32
        %add3A_409 = arith.addi %add3A_408, %add3A_392 : i32
        %get3A_410 = arith.constant 0 : i32
        %get3A_411 = arith.index_cast %get3A_410 : i32 to index
        %get3A_412 = arith.index_cast %add3A_409 : i32 to index
        %get3A_413 = arith.constant 16 : index
        %get3A_414 = tpu.vector_load %arg7[%get3A_411, %get3A_412, %get3A_413] {strides = array<i32>} : memref<2x200x128xf32, #tpu.memory_space<vmem>>, vector<1x1x16xf32>,
        %get3A_415 = vector.shape_cast %get3A_414 : vector<1x1x16xf32> to vector<16xf32>
        %swap3A_416 = arith.constant 0 : i32
        %swap3A_417 = arith.constant 3 : i32
        %swap3A_418 = arith.index_cast %swap3A_416 : i32 to index
        %swap3A_419 = arith.index_cast %swap3A_417 : i32 to index
        %swap3A_420 = arith.index_cast %add3A_392 : i32 to index
        %swap3A_421 = arith.constant 16 : index
        %swap3A_422 = tpu.vector_load %arg8[%swap3A_418, %swap3A_419, %swap3A_420, %swap3A_421] {strides = array<i32>} : memref<2x4x50x64xf32, #tpu.memory_space<vmem>>, vector<1x1x1x16xf32>,
        %swap3A_423 = vector.shape_cast %swap3A_422 : vector<1x1x1x16xf32> to vector<16xf32>
        %swap3A_424 = vector.shape_cast %get3A_415 : vector<16xf32> to vector<1x1x1x16xf32>
        tpu.vector_store %arg8[%swap3A_418, %swap3A_419, %swap3A_420, %swap3A_421], %swap3A_424 {strides = array<i32>} : memref<2x4x50x64xf32, #tpu.memory_space<vmem>>, vector<1x1x1x16xf32>,
        %add3A_425 = arith.constant 150 : i32
        %add3A_426 = arith.addi %add3A_425, %add3A_392 : i32
        %get3A_427 = arith.constant 0 : i32
        %get3A_428 = arith.index_cast %get3A_427 : i32 to index
        %get3A_429 = arith.index_cast %add3A_426 : i32 to index
        %get3A_430 = arith.constant 32 : index
        %get3A_431 = tpu.vector_load %arg7[%get3A_428, %get3A_429, %get3A_430] {strides = array<i32>} : memref<2x200x128xf32, #tpu.memory_space<vmem>>, vector<1x1x16xf32>,
        %get3A_432 = vector.shape_cast %get3A_431 : vector<1x1x16xf32> to vector<16xf32>
        %swap3A_433 = arith.constant 0 : i32
        %swap3A_434 = arith.constant 3 : i32
        %swap3A_435 = arith.index_cast %swap3A_433 : i32 to index
        %swap3A_436 = arith.index_cast %swap3A_434 : i32 to index
        %swap3A_437 = arith.index_cast %add3A_392 : i32 to index
        %swap3A_438 = arith.constant 32 : index
        %swap3A_439 = tpu.vector_load %arg8[%swap3A_435, %swap3A_436, %swap3A_437, %swap3A_438] {strides = array<i32>} : memref<2x4x50x64xf32, #tpu.memory_space<vmem>>, vector<1x1x1x16xf32>,
        %swap3A_440 = vector.shape_cast %swap3A_439 : vector<1x1x1x16xf32> to vector<16xf32>
        %swap3A_441 = vector.shape_cast %get3A_432 : vector<16xf32> to vector<1x1x1x16xf32>
        tpu.vector_store %arg8[%swap3A_435, %swap3A_436, %swap3A_437, %swap3A_438], %swap3A_441 {strides = array<i32>} : memref<2x4x50x64xf32, #tpu.memory_space<vmem>>, vector<1x1x1x16xf32>,
        %add3A_442 = arith.constant 150 : i32
        %add3A_443 = arith.addi %add3A_442, %add3A_392 : i32
        %get3A_444 = arith.constant 0 : i32
        %get3A_445 = arith.index_cast %get3A_444 : i32 to index
        %get3A_446 = arith.index_cast %add3A_443 : i32 to index
        %get3A_447 = arith.constant 48 : index
        %get3A_448 = tpu.vector_load %arg7[%get3A_445, %get3A_446, %get3A_447] {strides = array<i32>} : memref<2x200x128xf32, #tpu.memory_space<vmem>>, vector<1x1x16xf32>,
        %get3A_449 = vector.shape_cast %get3A_448 : vector<1x1x16xf32> to vector<16xf32>
        %swap3A_450 = arith.constant 0 : i32
        %swap3A_451 = arith.constant 3 : i32
        %swap3A_452 = arith.index_cast %swap3A_450 : i32 to index
        %swap3A_453 = arith.index_cast %swap3A_451 : i32 to index
        %swap3A_454 = arith.index_cast %add3A_392 : i32 to index
        %swap3A_455 = arith.constant 48 : index
        %swap3A_456 = tpu.vector_load %arg8[%swap3A_452, %swap3A_453, %swap3A_454, %swap3A_455] {strides = array<i32>} : memref<2x4x50x64xf32, #tpu.memory_space<vmem>>, vector<1x1x1x16xf32>,
        %swap3A_457 = vector.shape_cast %swap3A_456 : vector<1x1x1x16xf32> to vector<16xf32>
        %swap3A_458 = vector.shape_cast %get3A_449 : vector<16xf32> to vector<1x1x1x16xf32>
        tpu.vector_store %arg8[%swap3A_452, %swap3A_453, %swap3A_454, %swap3A_455], %swap3A_458 {strides = array<i32>} : memref<2x4x50x64xf32, #tpu.memory_space<vmem>>, vector<1x1x1x16xf32>,
      }
      %scan3A_235 = arith.constant 50 : i32
      %mul3A_236 = arith.constant 4 : i32
      %mul3A_237 = arith.muli %mul3A_15, %mul3A_236 : i32
      %add3A_238 = arith.addi %mul3A_2, %mul3A_237 : i32
      %dma_start3A_239 = arith.constant 0 : i32
      %dma_start3A_240 = arith.constant 0 : i32
      %dma_start3A_241 = arith.constant 0 : i32
      %dma_start3A_242 = arith.constant 0 : i32
      %dma_start3A_243 = tpu.memref_slice %arg8[%dma_start3A_239, %dma_start3A_240, %dma_start3A_241, %dma_start3A_242] : memref<2x4x50x64xf32, #tpu.memory_space<vmem>> -> memref<1x4x50x64xf32, #tpu.memory_space<vmem>>
      %dma_start3A_244 = tpu.memref_squeeze %dma_start3A_243 : memref<1x4x50x64xf32, #tpu.memory_space<vmem>> -> memref<4x50x64xf32, #tpu.memory_space<vmem>>
      %dma_start3A_245 = arith.constant 0 : i32
      %dma_start3A_246 = arith.constant 0 : i32
      %dma_start3A_247 = tpu.memref_slice %arg4[%add3A_238, %dma_start3A_245, %dma_start3A_246] : memref<1024x50x64xf32, #tpu.memory_space<hbm>> -> memref<4x50x64xf32, #tpu.memory_space<hbm>>
      %dma_start3A_248 = arith.constant 0 : i32
      %dma_start3A_249 = arith.constant 0 : i32
      %dma_start3A_250 = tpu.memref_slice %arg4[%add3A_238, %dma_start3A_248, %dma_start3A_249] : memref<1024x50x64xf32, #tpu.memory_space<hbm>> -> memref<4x50x64xf32, #tpu.memory_space<hbm>>
      %dma_start3A_251 = arith.constant 0 : i32
      %dma_start3A_252 = arith.constant 0 : i32
      %dma_start3A_253 = arith.constant 0 : i32
      %dma_start3A_254 = tpu.memref_slice %arg8[%dma_start3A_239, %dma_start3A_251, %dma_start3A_252, %dma_start3A_253] : memref<2x4x50x64xf32, #tpu.memory_space<vmem>> -> memref<1x4x50x64xf32, #tpu.memory_space<vmem>>
      %dma_start3A_255 = tpu.memref_squeeze %dma_start3A_254 : memref<1x4x50x64xf32, #tpu.memory_space<vmem>> -> memref<4x50x64xf32, #tpu.memory_space<vmem>>
      tpu.enqueue_dma source(%dma_start3A_255 : memref<4x50x64xf32, #tpu.memory_space<vmem>>) target(%dma_start3A_250 : memref<4x50x64xf32, #tpu.memory_space<hbm>>) target_semaphore(%arg10 : memref<!tpu.dma_semaphore, #tpu.memory_space<semaphore_mem>>)
      %dma_wait3A_256 = arith.constant 1 : i32
      %dma_wait3A_257 = arith.constant 0 : i32
      %dma_wait3A_258 = arith.constant 0 : i32
      %dma_wait3A_259 = tpu.memref_slice %arg7[%dma_wait3A_256, %dma_wait3A_257, %dma_wait3A_258] : memref<2x200x128xf32, #tpu.memory_space<vmem>> -> memref<1x200x128xf32, #tpu.memory_space<vmem>>
      %dma_wait3A_260 = tpu.memref_squeeze %dma_wait3A_259 : memref<1x200x128xf32, #tpu.memory_space<vmem>> -> memref<200x128xf32, #tpu.memory_space<vmem>>
      %dma_wait3A_261 = arith.constant 0 : i32
      %dma_wait3A_262 = arith.constant 0 : i32
      %dma_wait3A_263 = tpu.memref_slice %dma_wait3A_260[%dma_wait3A_261, %dma_wait3A_262] : memref<200x128xf32, #tpu.memory_space<vmem>> -> memref<50x128xf32, #tpu.memory_space<vmem>>
      %dma_wait3A_264 = arith.constant 0 : i32
      %dma_wait3A_265 = tpu.memref_slice %arg6[%add3A_92, %dma_wait3A_264] : memref<32x50xi32, #tpu.memory_space<vmem>> -> memref<1x50xi32, #tpu.memory_space<vmem>>
      %dma_wait3A_266 = tpu.memref_squeeze %dma_wait3A_265 : memref<1x50xi32, #tpu.memory_space<vmem>> -> memref<50xi32, #tpu.memory_space<vmem>>
      %dma_wait3A_267 = arith.constant 0 : i32
      %dma_wait3A_268 = arith.constant 0 : i32
      %dma_wait3A_269 = tpu.memref_slice %arg5[%dma_wait3A_267, %dma_wait3A_268] : memref<1000x128xf32, #tpu.memory_space<vmem_shared>> -> memref<1000x128xf32, #tpu.memory_space<vmem_shared>>
      tpu.wait_indirect_dma semaphore(%arg9 : memref<!tpu.dma_semaphore, #tpu.memory_space<semaphore_mem>>) src(%dma_wait3A_269 : memref<1000x128xf32, #tpu.memory_space<vmem_shared>>) dst(%dma_wait3A_263 : memref<50x128xf32, #tpu.memory_space<vmem>>)
      %dma_wait3A_270 = arith.constant 1 : i32
      %dma_wait3A_271 = arith.constant 0 : i32
      %dma_wait3A_272 = arith.constant 0 : i32
      %dma_wait3A_273 = tpu.memref_slice %arg7[%dma_wait3A_270, %dma_wait3A_271, %dma_wait3A_272] : memref<2x200x128xf32, #tpu.memory_space<vmem>> -> memref<1x200x128xf32, #tpu.memory_space<vmem>>
      %dma_wait3A_274 = tpu.memref_squeeze %dma_wait3A_273 : memref<1x200x128xf32, #tpu.memory_space<vmem>> -> memref<200x128xf32, #tpu.memory_space<vmem>>
      %dma_wait3A_275 = arith.constant 50 : i32
      %dma_wait3A_276 = arith.constant 0 : i32
      %dma_wait3A_277 = tpu.memref_slice %dma_wait3A_274[%dma_wait3A_275, %dma_wait3A_276] : memref<200x128xf32, #tpu.memory_space<vmem>> -> memref<50x128xf32, #tpu.memory_space<vmem>>
      %dma_wait3A_278 = arith.constant 0 : i32
      %dma_wait3A_279 = tpu.memref_slice %arg6[%add3A_110, %dma_wait3A_278] : memref<32x50xi32, #tpu.memory_space<vmem>> -> memref<1x50xi32, #tpu.memory_space<vmem>>
      %dma_wait3A_280 = tpu.memref_squeeze %dma_wait3A_279 : memref<1x50xi32, #tpu.memory_space<vmem>> -> memref<50xi32, #tpu.memory_space<vmem>>
      %dma_wait3A_281 = arith.constant 0 : i32
      %dma_wait3A_282 = arith.constant 0 : i32
      %dma_wait3A_283 = tpu.memref_slice %arg5[%dma_wait3A_281, %dma_wait3A_282] : memref<1000x128xf32, #tpu.memory_space<vmem_shared>> -> memref<1000x128xf32, #tpu.memory_space<vmem_shared>>
      tpu.wait_indirect_dma semaphore(%arg9 : memref<!tpu.dma_semaphore, #tpu.memory_space<semaphore_mem>>) src(%dma_wait3A_283 : memref<1000x128xf32, #tpu.memory_space<vmem_shared>>) dst(%dma_wait3A_277 : memref<50x128xf32, #tpu.memory_space<vmem>>)
      %dma_wait3A_284 = arith.constant 1 : i32
      %dma_wait3A_285 = arith.constant 0 : i32
      %dma_wait3A_286 = arith.constant 0 : i32
      %dma_wait3A_287 = tpu.memref_slice %arg7[%dma_wait3A_284, %dma_wait3A_285, %dma_wait3A_286] : memref<2x200x128xf32, #tpu.memory_space<vmem>> -> memref<1x200x128xf32, #tpu.memory_space<vmem>>
      %dma_wait3A_288 = tpu.memref_squeeze %dma_wait3A_287 : memref<1x200x128xf32, #tpu.memory_space<vmem>> -> memref<200x128xf32, #tpu.memory_space<vmem>>
      %dma_wait3A_289 = arith.constant 100 : i32
      %dma_wait3A_290 = arith.constant 0 : i32
      %dma_wait3A_291 = tpu.memref_slice %dma_wait3A_288[%dma_wait3A_289, %dma_wait3A_290] : memref<200x128xf32, #tpu.memory_space<vmem>> -> memref<50x128xf32, #tpu.memory_space<vmem>>
      %dma_wait3A_292 = arith.constant 0 : i32
      %dma_wait3A_293 = tpu.memref_slice %arg6[%add3A_128, %dma_wait3A_292] : memref<32x50xi32, #tpu.memory_space<vmem>> -> memref<1x50xi32, #tpu.memory_space<vmem>>
      %dma_wait3A_294 = tpu.memref_squeeze %dma_wait3A_293 : memref<1x50xi32, #tpu.memory_space<vmem>> -> memref<50xi32, #tpu.memory_space<vmem>>
      %dma_wait3A_295 = arith.constant 0 : i32
      %dma_wait3A_296 = arith.constant 0 : i32
      %dma_wait3A_297 = tpu.memref_slice %arg5[%dma_wait3A_295, %dma_wait3A_296] : memref<1000x128xf32, #tpu.memory_space<vmem_shared>> -> memref<1000x128xf32, #tpu.memory_space<vmem_shared>>
      tpu.wait_indirect_dma semaphore(%arg9 : memref<!tpu.dma_semaphore, #tpu.memory_space<semaphore_mem>>) src(%dma_wait3A_297 : memref<1000x128xf32, #tpu.memory_space<vmem_shared>>) dst(%dma_wait3A_291 : memref<50x128xf32, #tpu.memory_space<vmem>>)
      %dma_wait3A_298 = arith.constant 1 : i32
      %dma_wait3A_299 = arith.constant 0 : i32
      %dma_wait3A_300 = arith.constant 0 : i32
      %dma_wait3A_301 = tpu.memref_slice %arg7[%dma_wait3A_298, %dma_wait3A_299, %dma_wait3A_300] : memref<2x200x128xf32, #tpu.memory_space<vmem>> -> memref<1x200x128xf32, #tpu.memory_space<vmem>>
      %dma_wait3A_302 = tpu.memref_squeeze %dma_wait3A_301 : memref<1x200x128xf32, #tpu.memory_space<vmem>> -> memref<200x128xf32, #tpu.memory_space<vmem>>
      %dma_wait3A_303 = arith.constant 150 : i32
      %dma_wait3A_304 = arith.constant 0 : i32
      %dma_wait3A_305 = tpu.memref_slice %dma_wait3A_302[%dma_wait3A_303, %dma_wait3A_304] : memref<200x128xf32, #tpu.memory_space<vmem>> -> memref<50x128xf32, #tpu.memory_space<vmem>>
      %dma_wait3A_306 = arith.constant 0 : i32
      %dma_wait3A_307 = tpu.memref_slice %arg6[%add3A_146, %dma_wait3A_306] : memref<32x50xi32, #tpu.memory_space<vmem>> -> memref<1x50xi32, #tpu.memory_space<vmem>>
      %dma_wait3A_308 = tpu.memref_squeeze %dma_wait3A_307 : memref<1x50xi32, #tpu.memory_space<vmem>> -> memref<50xi32, #tpu.memory_space<vmem>>
      %dma_wait3A_309 = arith.constant 0 : i32
      %dma_wait3A_310 = arith.constant 0 : i32
      %dma_wait3A_311 = tpu.memref_slice %arg5[%dma_wait3A_309, %dma_wait3A_310] : memref<1000x128xf32, #tpu.memory_space<vmem_shared>> -> memref<1000x128xf32, #tpu.memory_space<vmem_shared>>
      tpu.wait_indirect_dma semaphore(%arg9 : memref<!tpu.dma_semaphore, #tpu.memory_space<semaphore_mem>>) src(%dma_wait3A_311 : memref<1000x128xf32, #tpu.memory_space<vmem_shared>>) dst(%dma_wait3A_305 : memref<50x128xf32, #tpu.memory_space<vmem>>)
      %scan3A_312 = arith.constant 0 : i32
      %scan3A_313 = arith.constant 50 : i32
      %scan3A_314 = arith.addi %scan3A_312, %scan3A_313 : i32
      %scan3A_315 = arith.constant 1 : i32
      scf.for %scan3A_388 = %scan3A_312 to %scan3A_314 step %scan3A_315  : i32 {
        %mul3A_389 = arith.constant 1 : i32
        %mul3A_390 = arith.muli %scan3A_388, %mul3A_389 : i32
        %add3A_391 = arith.constant 0 : i32
        %add3A_392 = arith.addi %add3A_391, %mul3A_390 : i32
        %add3A_393 = arith.constant 0 : i32
        %add3A_394 = arith.addi %add3A_393, %add3A_392 : i32
        %get3A = arith.constant 1 : i32
        %get3A_395 = arith.index_cast %get3A : i32 to index
        %get3A_396 = arith.index_cast %add3A_394 : i32 to index
        %get3A_397 = arith.constant 0 : index
        %get3A_398 = tpu.vector_load %arg7[%get3A_395, %get3A_396, %get3A_397] {strides = array<i32>} : memref<2x200x128xf32, #tpu.memory_space<vmem>>, vector<1x1x16xf32>,
        %get3A_399 = vector.shape_cast %get3A_398 : vector<1x1x16xf32> to vector<16xf32>
        %swap3A = arith.constant 1 : i32
        %swap3A_400 = arith.constant 0 : i32
        %swap3A_401 = arith.index_cast %swap3A : i32 to index
        %swap3A_402 = arith.index_cast %swap3A_400 : i32 to index
        %swap3A_403 = arith.index_cast %add3A_392 : i32 to index
        %swap3A_404 = arith.constant 0 : index
        %swap3A_405 = tpu.vector_load %arg8[%swap3A_401, %swap3A_402, %swap3A_403, %swap3A_404] {strides = array<i32>} : memref<2x4x50x64xf32, #tpu.memory_space<vmem>>, vector<1x1x1x16xf32>,
        %swap3A_406 = vector.shape_cast %swap3A_405 : vector<1x1x1x16xf32> to vector<16xf32>
        %swap3A_407 = vector.shape_cast %get3A_399 : vector<16xf32> to vector<1x1x1x16xf32>
        tpu.vector_store %arg8[%swap3A_401, %swap3A_402, %swap3A_403, %swap3A_404], %swap3A_407 {strides = array<i32>} : memref<2x4x50x64xf32, #tpu.memory_space<vmem>>, vector<1x1x1x16xf32>,
        %add3A_408 = arith.constant 0 : i32
        %add3A_409 = arith.addi %add3A_408, %add3A_392 : i32
        %get3A_410 = arith.constant 1 : i32
        %get3A_411 = arith.index_cast %get3A_410 : i32 to index
        %get3A_412 = arith.index_cast %add3A_409 : i32 to index
        %get3A_413 = arith.constant 16 : index
        %get3A_414 = tpu.vector_load %arg7[%get3A_411, %get3A_412, %get3A_413] {strides = array<i32>} : memref<2x200x128xf32, #tpu.memory_space<vmem>>, vector<1x1x16xf32>,
        %get3A_415 = vector.shape_cast %get3A_414 : vector<1x1x16xf32> to vector<16xf32>
        %swap3A_416 = arith.constant 1 : i32
        %swap3A_417 = arith.constant 0 : i32
        %swap3A_418 = arith.index_cast %swap3A_416 : i32 to index
        %swap3A_419 = arith.index_cast %swap3A_417 : i32 to index
        %swap3A_420 = arith.index_cast %add3A_392 : i32 to index
        %swap3A_421 = arith.constant 16 : index
        %swap3A_422 = tpu.vector_load %arg8[%swap3A_418, %swap3A_419, %swap3A_420, %swap3A_421] {strides = array<i32>} : memref<2x4x50x64xf32, #tpu.memory_space<vmem>>, vector<1x1x1x16xf32>,
        %swap3A_423 = vector.shape_cast %swap3A_422 : vector<1x1x1x16xf32> to vector<16xf32>
        %swap3A_424 = vector.shape_cast %get3A_415 : vector<16xf32> to vector<1x1x1x16xf32>
        tpu.vector_store %arg8[%swap3A_418, %swap3A_419, %swap3A_420, %swap3A_421], %swap3A_424 {strides = array<i32>} : memref<2x4x50x64xf32, #tpu.memory_space<vmem>>, vector<1x1x1x16xf32>,
        %add3A_425 = arith.constant 0 : i32
        %add3A_426 = arith.addi %add3A_425, %add3A_392 : i32
        %get3A_427 = arith.constant 1 : i32
        %get3A_428 = arith.index_cast %get3A_427 : i32 to index
        %get3A_429 = arith.index_cast %add3A_426 : i32 to index
        %get3A_430 = arith.constant 32 : index
        %get3A_431 = tpu.vector_load %arg7[%get3A_428, %get3A_429, %get3A_430] {strides = array<i32>} : memref<2x200x128xf32, #tpu.memory_space<vmem>>, vector<1x1x16xf32>,
        %get3A_432 = vector.shape_cast %get3A_431 : vector<1x1x16xf32> to vector<16xf32>
        %swap3A_433 = arith.constant 1 : i32
        %swap3A_434 = arith.constant 0 : i32
        %swap3A_435 = arith.index_cast %swap3A_433 : i32 to index
        %swap3A_436 = arith.index_cast %swap3A_434 : i32 to index
        %swap3A_437 = arith.index_cast %add3A_392 : i32 to index
        %swap3A_438 = arith.constant 32 : index
        %swap3A_439 = tpu.vector_load %arg8[%swap3A_435, %swap3A_436, %swap3A_437, %swap3A_438] {strides = array<i32>} : memref<2x4x50x64xf32, #tpu.memory_space<vmem>>, vector<1x1x1x16xf32>,
        %swap3A_440 = vector.shape_cast %swap3A_439 : vector<1x1x1x16xf32> to vector<16xf32>
        %swap3A_441 = vector.shape_cast %get3A_432 : vector<16xf32> to vector<1x1x1x16xf32>
        tpu.vector_store %arg8[%swap3A_435, %swap3A_436, %swap3A_437, %swap3A_438], %swap3A_441 {strides = array<i32>} : memref<2x4x50x64xf32, #tpu.memory_space<vmem>>, vector<1x1x1x16xf32>,
        %add3A_442 = arith.constant 0 : i32
        %add3A_443 = arith.addi %add3A_442, %add3A_392 : i32
        %get3A_444 = arith.constant 1 : i32
        %get3A_445 = arith.index_cast %get3A_444 : i32 to index
        %get3A_446 = arith.index_cast %add3A_443 : i32 to index
        %get3A_447 = arith.constant 48 : index
        %get3A_448 = tpu.vector_load %arg7[%get3A_445, %get3A_446, %get3A_447] {strides = array<i32>} : memref<2x200x128xf32, #tpu.memory_space<vmem>>, vector<1x1x16xf32>,
        %get3A_449 = vector.shape_cast %get3A_448 : vector<1x1x16xf32> to vector<16xf32>
        %swap3A_450 = arith.constant 1 : i32
        %swap3A_451 = arith.constant 0 : i32
        %swap3A_452 = arith.index_cast %swap3A_450 : i32 to index
        %swap3A_453 = arith.index_cast %swap3A_451 : i32 to index
        %swap3A_454 = arith.index_cast %add3A_392 : i32 to index
        %swap3A_455 = arith.constant 48 : index
        %swap3A_456 = tpu.vector_load %arg8[%swap3A_452, %swap3A_453, %swap3A_454, %swap3A_455] {strides = array<i32>} : memref<2x4x50x64xf32, #tpu.memory_space<vmem>>, vector<1x1x1x16xf32>,
        %swap3A_457 = vector.shape_cast %swap3A_456 : vector<1x1x1x16xf32> to vector<16xf32>
        %swap3A_458 = vector.shape_cast %get3A_449 : vector<16xf32> to vector<1x1x1x16xf32>
        tpu.vector_store %arg8[%swap3A_452, %swap3A_453, %swap3A_454, %swap3A_455], %swap3A_458 {strides = array<i32>} : memref<2x4x50x64xf32, #tpu.memory_space<vmem>>, vector<1x1x1x16xf32>,
      }
      %scan3A_316 = arith.constant 50 : i32
      %scan3A_317 = arith.constant 0 : i32
      %scan3A_318 = arith.constant 50 : i32
      %scan3A_319 = arith.addi %scan3A_317, %scan3A_318 : i32
      %scan3A_320 = arith.constant 1 : i32
      scf.for %scan3A_388 = %scan3A_317 to %scan3A_319 step %scan3A_320  : i32 {
        %mul3A_389 = arith.constant 1 : i32
        %mul3A_390 = arith.muli %scan3A_388, %mul3A_389 : i32
        %add3A_391 = arith.constant 0 : i32
        %add3A_392 = arith.addi %add3A_391, %mul3A_390 : i32
        %add3A_393 = arith.constant 50 : i32
        %add3A_394 = arith.addi %add3A_393, %add3A_392 : i32
        %get3A = arith.constant 1 : i32
        %get3A_395 = arith.index_cast %get3A : i32 to index
        %get3A_396 = arith.index_cast %add3A_394 : i32 to index
        %get3A_397 = arith.constant 0 : index
        %get3A_398 = tpu.vector_load %arg7[%get3A_395, %get3A_396, %get3A_397] {strides = array<i32>} : memref<2x200x128xf32, #tpu.memory_space<vmem>>, vector<1x1x16xf32>,
        %get3A_399 = vector.shape_cast %get3A_398 : vector<1x1x16xf32> to vector<16xf32>
        %swap3A = arith.constant 1 : i32
        %swap3A_400 = arith.constant 1 : i32
        %swap3A_401 = arith.index_cast %swap3A : i32 to index
        %swap3A_402 = arith.index_cast %swap3A_400 : i32 to index
        %swap3A_403 = arith.index_cast %add3A_392 : i32 to index
        %swap3A_404 = arith.constant 0 : index
        %swap3A_405 = tpu.vector_load %arg8[%swap3A_401, %swap3A_402, %swap3A_403, %swap3A_404] {strides = array<i32>} : memref<2x4x50x64xf32, #tpu.memory_space<vmem>>, vector<1x1x1x16xf32>,
        %swap3A_406 = vector.shape_cast %swap3A_405 : vector<1x1x1x16xf32> to vector<16xf32>
        %swap3A_407 = vector.shape_cast %get3A_399 : vector<16xf32> to vector<1x1x1x16xf32>
        tpu.vector_store %arg8[%swap3A_401, %swap3A_402, %swap3A_403, %swap3A_404], %swap3A_407 {strides = array<i32>} : memref<2x4x50x64xf32, #tpu.memory_space<vmem>>, vector<1x1x1x16xf32>,
        %add3A_408 = arith.constant 50 : i32
        %add3A_409 = arith.addi %add3A_408, %add3A_392 : i32
        %get3A_410 = arith.constant 1 : i32
        %get3A_411 = arith.index_cast %get3A_410 : i32 to index
        %get3A_412 = arith.index_cast %add3A_409 : i32 to index
        %get3A_413 = arith.constant 16 : index
        %get3A_414 = tpu.vector_load %arg7[%get3A_411, %get3A_412, %get3A_413] {strides = array<i32>} : memref<2x200x128xf32, #tpu.memory_space<vmem>>, vector<1x1x16xf32>,
        %get3A_415 = vector.shape_cast %get3A_414 : vector<1x1x16xf32> to vector<16xf32>
        %swap3A_416 = arith.constant 1 : i32
        %swap3A_417 = arith.constant 1 : i32
        %swap3A_418 = arith.index_cast %swap3A_416 : i32 to index
        %swap3A_419 = arith.index_cast %swap3A_417 : i32 to index
        %swap3A_420 = arith.index_cast %add3A_392 : i32 to index
        %swap3A_421 = arith.constant 16 : index
        %swap3A_422 = tpu.vector_load %arg8[%swap3A_418, %swap3A_419, %swap3A_420, %swap3A_421] {strides = array<i32>} : memref<2x4x50x64xf32, #tpu.memory_space<vmem>>, vector<1x1x1x16xf32>,
        %swap3A_423 = vector.shape_cast %swap3A_422 : vector<1x1x1x16xf32> to vector<16xf32>
        %swap3A_424 = vector.shape_cast %get3A_415 : vector<16xf32> to vector<1x1x1x16xf32>
        tpu.vector_store %arg8[%swap3A_418, %swap3A_419, %swap3A_420, %swap3A_421], %swap3A_424 {strides = array<i32>} : memref<2x4x50x64xf32, #tpu.memory_space<vmem>>, vector<1x1x1x16xf32>,
        %add3A_425 = arith.constant 50 : i32
        %add3A_426 = arith.addi %add3A_425, %add3A_392 : i32
        %get3A_427 = arith.constant 1 : i32
        %get3A_428 = arith.index_cast %get3A_427 : i32 to index
        %get3A_429 = arith.index_cast %add3A_426 : i32 to index
        %get3A_430 = arith.constant 32 : index
        %get3A_431 = tpu.vector_load %arg7[%get3A_428, %get3A_429, %get3A_430] {strides = array<i32>} : memref<2x200x128xf32, #tpu.memory_space<vmem>>, vector<1x1x16xf32>,
        %get3A_432 = vector.shape_cast %get3A_431 : vector<1x1x16xf32> to vector<16xf32>
        %swap3A_433 = arith.constant 1 : i32
        %swap3A_434 = arith.constant 1 : i32
        %swap3A_435 = arith.index_cast %swap3A_433 : i32 to index
        %swap3A_436 = arith.index_cast %swap3A_434 : i32 to index
        %swap3A_437 = arith.index_cast %add3A_392 : i32 to index
        %swap3A_438 = arith.constant 32 : index
        %swap3A_439 = tpu.vector_load %arg8[%swap3A_435, %swap3A_436, %swap3A_437, %swap3A_438] {strides = array<i32>} : memref<2x4x50x64xf32, #tpu.memory_space<vmem>>, vector<1x1x1x16xf32>,
        %swap3A_440 = vector.shape_cast %swap3A_439 : vector<1x1x1x16xf32> to vector<16xf32>
        %swap3A_441 = vector.shape_cast %get3A_432 : vector<16xf32> to vector<1x1x1x16xf32>
        tpu.vector_store %arg8[%swap3A_435, %swap3A_436, %swap3A_437, %swap3A_438], %swap3A_441 {strides = array<i32>} : memref<2x4x50x64xf32, #tpu.memory_space<vmem>>, vector<1x1x1x16xf32>,
        %add3A_442 = arith.constant 50 : i32
        %add3A_443 = arith.addi %add3A_442, %add3A_392 : i32
        %get3A_444 = arith.constant 1 : i32
        %get3A_445 = arith.index_cast %get3A_444 : i32 to index
        %get3A_446 = arith.index_cast %add3A_443 : i32 to index
        %get3A_447 = arith.constant 48 : index
        %get3A_448 = tpu.vector_load %arg7[%get3A_445, %get3A_446, %get3A_447] {strides = array<i32>} : memref<2x200x128xf32, #tpu.memory_space<vmem>>, vector<1x1x16xf32>,
        %get3A_449 = vector.shape_cast %get3A_448 : vector<1x1x16xf32> to vector<16xf32>
        %swap3A_450 = arith.constant 1 : i32
        %swap3A_451 = arith.constant 1 : i32
        %swap3A_452 = arith.index_cast %swap3A_450 : i32 to index
        %swap3A_453 = arith.index_cast %swap3A_451 : i32 to index
        %swap3A_454 = arith.index_cast %add3A_392 : i32 to index
        %swap3A_455 = arith.constant 48 : index
        %swap3A_456 = tpu.vector_load %arg8[%swap3A_452, %swap3A_453, %swap3A_454, %swap3A_455] {strides = array<i32>} : memref<2x4x50x64xf32, #tpu.memory_space<vmem>>, vector<1x1x1x16xf32>,
        %swap3A_457 = vector.shape_cast %swap3A_456 : vector<1x1x1x16xf32> to vector<16xf32>
        %swap3A_458 = vector.shape_cast %get3A_449 : vector<16xf32> to vector<1x1x1x16xf32>
        tpu.vector_store %arg8[%swap3A_452, %swap3A_453, %swap3A_454, %swap3A_455], %swap3A_458 {strides = array<i32>} : memref<2x4x50x64xf32, #tpu.memory_space<vmem>>, vector<1x1x1x16xf32>,
      }
      %scan3A_321 = arith.constant 50 : i32
      %scan3A_322 = arith.constant 0 : i32
      %scan3A_323 = arith.constant 50 : i32
      %scan3A_324 = arith.addi %scan3A_322, %scan3A_323 : i32
      %scan3A_325 = arith.constant 1 : i32
      scf.for %scan3A_388 = %scan3A_322 to %scan3A_324 step %scan3A_325  : i32 {
        %mul3A_389 = arith.constant 1 : i32
        %mul3A_390 = arith.muli %scan3A_388, %mul3A_389 : i32
        %add3A_391 = arith.constant 0 : i32
        %add3A_392 = arith.addi %add3A_391, %mul3A_390 : i32
        %add3A_393 = arith.constant 100 : i32
        %add3A_394 = arith.addi %add3A_393, %add3A_392 : i32
        %get3A = arith.constant 1 : i32
        %get3A_395 = arith.index_cast %get3A : i32 to index
        %get3A_396 = arith.index_cast %add3A_394 : i32 to index
        %get3A_397 = arith.constant 0 : index
        %get3A_398 = tpu.vector_load %arg7[%get3A_395, %get3A_396, %get3A_397] {strides = array<i32>} : memref<2x200x128xf32, #tpu.memory_space<vmem>>, vector<1x1x16xf32>,
        %get3A_399 = vector.shape_cast %get3A_398 : vector<1x1x16xf32> to vector<16xf32>
        %swap3A = arith.constant 1 : i32
        %swap3A_400 = arith.constant 2 : i32
        %swap3A_401 = arith.index_cast %swap3A : i32 to index
        %swap3A_402 = arith.index_cast %swap3A_400 : i32 to index
        %swap3A_403 = arith.index_cast %add3A_392 : i32 to index
        %swap3A_404 = arith.constant 0 : index
        %swap3A_405 = tpu.vector_load %arg8[%swap3A_401, %swap3A_402, %swap3A_403, %swap3A_404] {strides = array<i32>} : memref<2x4x50x64xf32, #tpu.memory_space<vmem>>, vector<1x1x1x16xf32>,
        %swap3A_406 = vector.shape_cast %swap3A_405 : vector<1x1x1x16xf32> to vector<16xf32>
        %swap3A_407 = vector.shape_cast %get3A_399 : vector<16xf32> to vector<1x1x1x16xf32>
        tpu.vector_store %arg8[%swap3A_401, %swap3A_402, %swap3A_403, %swap3A_404], %swap3A_407 {strides = array<i32>} : memref<2x4x50x64xf32, #tpu.memory_space<vmem>>, vector<1x1x1x16xf32>,
        %add3A_408 = arith.constant 100 : i32
        %add3A_409 = arith.addi %add3A_408, %add3A_392 : i32
        %get3A_410 = arith.constant 1 : i32
        %get3A_411 = arith.index_cast %get3A_410 : i32 to index
        %get3A_412 = arith.index_cast %add3A_409 : i32 to index
        %get3A_413 = arith.constant 16 : index
        %get3A_414 = tpu.vector_load %arg7[%get3A_411, %get3A_412, %get3A_413] {strides = array<i32>} : memref<2x200x128xf32, #tpu.memory_space<vmem>>, vector<1x1x16xf32>,
        %get3A_415 = vector.shape_cast %get3A_414 : vector<1x1x16xf32> to vector<16xf32>
        %swap3A_416 = arith.constant 1 : i32
        %swap3A_417 = arith.constant 2 : i32
        %swap3A_418 = arith.index_cast %swap3A_416 : i32 to index
        %swap3A_419 = arith.index_cast %swap3A_417 : i32 to index
        %swap3A_420 = arith.index_cast %add3A_392 : i32 to index
        %swap3A_421 = arith.constant 16 : index
        %swap3A_422 = tpu.vector_load %arg8[%swap3A_418, %swap3A_419, %swap3A_420, %swap3A_421] {strides = array<i32>} : memref<2x4x50x64xf32, #tpu.memory_space<vmem>>, vector<1x1x1x16xf32>,
        %swap3A_423 = vector.shape_cast %swap3A_422 : vector<1x1x1x16xf32> to vector<16xf32>
        %swap3A_424 = vector.shape_cast %get3A_415 : vector<16xf32> to vector<1x1x1x16xf32>
        tpu.vector_store %arg8[%swap3A_418, %swap3A_419, %swap3A_420, %swap3A_421], %swap3A_424 {strides = array<i32>} : memref<2x4x50x64xf32, #tpu.memory_space<vmem>>, vector<1x1x1x16xf32>,
        %add3A_425 = arith.constant 100 : i32
        %add3A_426 = arith.addi %add3A_425, %add3A_392 : i32
        %get3A_427 = arith.constant 1 : i32
        %get3A_428 = arith.index_cast %get3A_427 : i32 to index
        %get3A_429 = arith.index_cast %add3A_426 : i32 to index
        %get3A_430 = arith.constant 32 : index
        %get3A_431 = tpu.vector_load %arg7[%get3A_428, %get3A_429, %get3A_430] {strides = array<i32>} : memref<2x200x128xf32, #tpu.memory_space<vmem>>, vector<1x1x16xf32>,
        %get3A_432 = vector.shape_cast %get3A_431 : vector<1x1x16xf32> to vector<16xf32>
        %swap3A_433 = arith.constant 1 : i32
        %swap3A_434 = arith.constant 2 : i32
        %swap3A_435 = arith.index_cast %swap3A_433 : i32 to index
        %swap3A_436 = arith.index_cast %swap3A_434 : i32 to index
        %swap3A_437 = arith.index_cast %add3A_392 : i32 to index
        %swap3A_438 = arith.constant 32 : index
        %swap3A_439 = tpu.vector_load %arg8[%swap3A_435, %swap3A_436, %swap3A_437, %swap3A_438] {strides = array<i32>} : memref<2x4x50x64xf32, #tpu.memory_space<vmem>>, vector<1x1x1x16xf32>,
        %swap3A_440 = vector.shape_cast %swap3A_439 : vector<1x1x1x16xf32> to vector<16xf32>
        %swap3A_441 = vector.shape_cast %get3A_432 : vector<16xf32> to vector<1x1x1x16xf32>
        tpu.vector_store %arg8[%swap3A_435, %swap3A_436, %swap3A_437, %swap3A_438], %swap3A_441 {strides = array<i32>} : memref<2x4x50x64xf32, #tpu.memory_space<vmem>>, vector<1x1x1x16xf32>,
        %add3A_442 = arith.constant 100 : i32
        %add3A_443 = arith.addi %add3A_442, %add3A_392 : i32
        %get3A_444 = arith.constant 1 : i32
        %get3A_445 = arith.index_cast %get3A_444 : i32 to index
        %get3A_446 = arith.index_cast %add3A_443 : i32 to index
        %get3A_447 = arith.constant 48 : index
        %get3A_448 = tpu.vector_load %arg7[%get3A_445, %get3A_446, %get3A_447] {strides = array<i32>} : memref<2x200x128xf32, #tpu.memory_space<vmem>>, vector<1x1x16xf32>,
        %get3A_449 = vector.shape_cast %get3A_448 : vector<1x1x16xf32> to vector<16xf32>
        %swap3A_450 = arith.constant 1 : i32
        %swap3A_451 = arith.constant 2 : i32
        %swap3A_452 = arith.index_cast %swap3A_450 : i32 to index
        %swap3A_453 = arith.index_cast %swap3A_451 : i32 to index
        %swap3A_454 = arith.index_cast %add3A_392 : i32 to index
        %swap3A_455 = arith.constant 48 : index
        %swap3A_456 = tpu.vector_load %arg8[%swap3A_452, %swap3A_453, %swap3A_454, %swap3A_455] {strides = array<i32>} : memref<2x4x50x64xf32, #tpu.memory_space<vmem>>, vector<1x1x1x16xf32>,
        %swap3A_457 = vector.shape_cast %swap3A_456 : vector<1x1x1x16xf32> to vector<16xf32>
        %swap3A_458 = vector.shape_cast %get3A_449 : vector<16xf32> to vector<1x1x1x16xf32>
        tpu.vector_store %arg8[%swap3A_452, %swap3A_453, %swap3A_454, %swap3A_455], %swap3A_458 {strides = array<i32>} : memref<2x4x50x64xf32, #tpu.memory_space<vmem>>, vector<1x1x1x16xf32>,
      }
      %scan3A_326 = arith.constant 50 : i32
      %scan3A_327 = arith.constant 0 : i32
      %scan3A_328 = arith.constant 50 : i32
      %scan3A_329 = arith.addi %scan3A_327, %scan3A_328 : i32
      %scan3A_330 = arith.constant 1 : i32
      scf.for %scan3A_388 = %scan3A_327 to %scan3A_329 step %scan3A_330  : i32 {
        %mul3A_389 = arith.constant 1 : i32
        %mul3A_390 = arith.muli %scan3A_388, %mul3A_389 : i32
        %add3A_391 = arith.constant 0 : i32
        %add3A_392 = arith.addi %add3A_391, %mul3A_390 : i32
        %add3A_393 = arith.constant 150 : i32
        %add3A_394 = arith.addi %add3A_393, %add3A_392 : i32
        %get3A = arith.constant 1 : i32
        %get3A_395 = arith.index_cast %get3A : i32 to index
        %get3A_396 = arith.index_cast %add3A_394 : i32 to index
        %get3A_397 = arith.constant 0 : index
        %get3A_398 = tpu.vector_load %arg7[%get3A_395, %get3A_396, %get3A_397] {strides = array<i32>} : memref<2x200x128xf32, #tpu.memory_space<vmem>>, vector<1x1x16xf32>,
        %get3A_399 = vector.shape_cast %get3A_398 : vector<1x1x16xf32> to vector<16xf32>
        %swap3A = arith.constant 1 : i32
        %swap3A_400 = arith.constant 3 : i32
        %swap3A_401 = arith.index_cast %swap3A : i32 to index
        %swap3A_402 = arith.index_cast %swap3A_400 : i32 to index
        %swap3A_403 = arith.index_cast %add3A_392 : i32 to index
        %swap3A_404 = arith.constant 0 : index
        %swap3A_405 = tpu.vector_load %arg8[%swap3A_401, %swap3A_402, %swap3A_403, %swap3A_404] {strides = array<i32>} : memref<2x4x50x64xf32, #tpu.memory_space<vmem>>, vector<1x1x1x16xf32>,
        %swap3A_406 = vector.shape_cast %swap3A_405 : vector<1x1x1x16xf32> to vector<16xf32>
        %swap3A_407 = vector.shape_cast %get3A_399 : vector<16xf32> to vector<1x1x1x16xf32>
        tpu.vector_store %arg8[%swap3A_401, %swap3A_402, %swap3A_403, %swap3A_404], %swap3A_407 {strides = array<i32>} : memref<2x4x50x64xf32, #tpu.memory_space<vmem>>, vector<1x1x1x16xf32>,
        %add3A_408 = arith.constant 150 : i32
        %add3A_409 = arith.addi %add3A_408, %add3A_392 : i32
        %get3A_410 = arith.constant 1 : i32
        %get3A_411 = arith.index_cast %get3A_410 : i32 to index
        %get3A_412 = arith.index_cast %add3A_409 : i32 to index
        %get3A_413 = arith.constant 16 : index
        %get3A_414 = tpu.vector_load %arg7[%get3A_411, %get3A_412, %get3A_413] {strides = array<i32>} : memref<2x200x128xf32, #tpu.memory_space<vmem>>, vector<1x1x16xf32>,
        %get3A_415 = vector.shape_cast %get3A_414 : vector<1x1x16xf32> to vector<16xf32>
        %swap3A_416 = arith.constant 1 : i32
        %swap3A_417 = arith.constant 3 : i32
        %swap3A_418 = arith.index_cast %swap3A_416 : i32 to index
        %swap3A_419 = arith.index_cast %swap3A_417 : i32 to index
        %swap3A_420 = arith.index_cast %add3A_392 : i32 to index
        %swap3A_421 = arith.constant 16 : index
        %swap3A_422 = tpu.vector_load %arg8[%swap3A_418, %swap3A_419, %swap3A_420, %swap3A_421] {strides = array<i32>} : memref<2x4x50x64xf32, #tpu.memory_space<vmem>>, vector<1x1x1x16xf32>,
        %swap3A_423 = vector.shape_cast %swap3A_422 : vector<1x1x1x16xf32> to vector<16xf32>
        %swap3A_424 = vector.shape_cast %get3A_415 : vector<16xf32> to vector<1x1x1x16xf32>
        tpu.vector_store %arg8[%swap3A_418, %swap3A_419, %swap3A_420, %swap3A_421], %swap3A_424 {strides = array<i32>} : memref<2x4x50x64xf32, #tpu.memory_space<vmem>>, vector<1x1x1x16xf32>,
        %add3A_425 = arith.constant 150 : i32
        %add3A_426 = arith.addi %add3A_425, %add3A_392 : i32
        %get3A_427 = arith.constant 1 : i32
        %get3A_428 = arith.index_cast %get3A_427 : i32 to index
        %get3A_429 = arith.index_cast %add3A_426 : i32 to index
        %get3A_430 = arith.constant 32 : index
        %get3A_431 = tpu.vector_load %arg7[%get3A_428, %get3A_429, %get3A_430] {strides = array<i32>} : memref<2x200x128xf32, #tpu.memory_space<vmem>>, vector<1x1x16xf32>,
        %get3A_432 = vector.shape_cast %get3A_431 : vector<1x1x16xf32> to vector<16xf32>
        %swap3A_433 = arith.constant 1 : i32
        %swap3A_434 = arith.constant 3 : i32
        %swap3A_435 = arith.index_cast %swap3A_433 : i32 to index
        %swap3A_436 = arith.index_cast %swap3A_434 : i32 to index
        %swap3A_437 = arith.index_cast %add3A_392 : i32 to index
        %swap3A_438 = arith.constant 32 : index
        %swap3A_439 = tpu.vector_load %arg8[%swap3A_435, %swap3A_436, %swap3A_437, %swap3A_438] {strides = array<i32>} : memref<2x4x50x64xf32, #tpu.memory_space<vmem>>, vector<1x1x1x16xf32>,
        %swap3A_440 = vector.shape_cast %swap3A_439 : vector<1x1x1x16xf32> to vector<16xf32>
        %swap3A_441 = vector.shape_cast %get3A_432 : vector<16xf32> to vector<1x1x1x16xf32>
        tpu.vector_store %arg8[%swap3A_435, %swap3A_436, %swap3A_437, %swap3A_438], %swap3A_441 {strides = array<i32>} : memref<2x4x50x64xf32, #tpu.memory_space<vmem>>, vector<1x1x1x16xf32>,
        %add3A_442 = arith.constant 150 : i32
        %add3A_443 = arith.addi %add3A_442, %add3A_392 : i32
        %get3A_444 = arith.constant 1 : i32
        %get3A_445 = arith.index_cast %get3A_444 : i32 to index
        %get3A_446 = arith.index_cast %add3A_443 : i32 to index
        %get3A_447 = arith.constant 48 : index
        %get3A_448 = tpu.vector_load %arg7[%get3A_445, %get3A_446, %get3A_447] {strides = array<i32>} : memref<2x200x128xf32, #tpu.memory_space<vmem>>, vector<1x1x16xf32>,
        %get3A_449 = vector.shape_cast %get3A_448 : vector<1x1x16xf32> to vector<16xf32>
        %swap3A_450 = arith.constant 1 : i32
        %swap3A_451 = arith.constant 3 : i32
        %swap3A_452 = arith.index_cast %swap3A_450 : i32 to index
        %swap3A_453 = arith.index_cast %swap3A_451 : i32 to index
        %swap3A_454 = arith.index_cast %add3A_392 : i32 to index
        %swap3A_455 = arith.constant 48 : index
        %swap3A_456 = tpu.vector_load %arg8[%swap3A_452, %swap3A_453, %swap3A_454, %swap3A_455] {strides = array<i32>} : memref<2x4x50x64xf32, #tpu.memory_space<vmem>>, vector<1x1x1x16xf32>,
        %swap3A_457 = vector.shape_cast %swap3A_456 : vector<1x1x1x16xf32> to vector<16xf32>
        %swap3A_458 = vector.shape_cast %get3A_449 : vector<16xf32> to vector<1x1x1x16xf32>
        tpu.vector_store %arg8[%swap3A_452, %swap3A_453, %swap3A_454, %swap3A_455], %swap3A_458 {strides = array<i32>} : memref<2x4x50x64xf32, #tpu.memory_space<vmem>>, vector<1x1x1x16xf32>,
      }
      %scan3A_331 = arith.constant 50 : i32
      %add3A_332 = arith.constant 1 : i32
      %add3A_333 = arith.addi %mul3A_15, %add3A_332 : i32
      %mul3A_334 = arith.constant 4 : i32
      %mul3A_335 = arith.muli %add3A_333, %mul3A_334 : i32
      %add3A_336 = arith.addi %mul3A_2, %mul3A_335 : i32
      %dma_start3A_337 = arith.constant 1 : i32
      %dma_start3A_338 = arith.constant 0 : i32
      %dma_start3A_339 = arith.constant 0 : i32
      %dma_start3A_340 = arith.constant 0 : i32
      %dma_start3A_341 = tpu.memref_slice %arg8[%dma_start3A_337, %dma_start3A_338, %dma_start3A_339, %dma_start3A_340] : memref<2x4x50x64xf32, #tpu.memory_space<vmem>> -> memref<1x4x50x64xf32, #tpu.memory_space<vmem>>
      %dma_start3A_342 = tpu.memref_squeeze %dma_start3A_341 : memref<1x4x50x64xf32, #tpu.memory_space<vmem>> -> memref<4x50x64xf32, #tpu.memory_space<vmem>>
      %dma_start3A_343 = arith.constant 0 : i32
      %dma_start3A_344 = arith.constant 0 : i32
      %dma_start3A_345 = tpu.memref_slice %arg4[%add3A_336, %dma_start3A_343, %dma_start3A_344] : memref<1024x50x64xf32, #tpu.memory_space<hbm>> -> memref<4x50x64xf32, #tpu.memory_space<hbm>>
      %dma_start3A_346 = arith.constant 0 : i32
      %dma_start3A_347 = arith.constant 0 : i32
      %dma_start3A_348 = tpu.memref_slice %arg4[%add3A_336, %dma_start3A_346, %dma_start3A_347] : memref<1024x50x64xf32, #tpu.memory_space<hbm>> -> memref<4x50x64xf32, #tpu.memory_space<hbm>>
      %dma_start3A_349 = arith.constant 0 : i32
      %dma_start3A_350 = arith.constant 0 : i32
      %dma_start3A_351 = arith.constant 0 : i32
      %dma_start3A_352 = tpu.memref_slice %arg8[%dma_start3A_337, %dma_start3A_349, %dma_start3A_350, %dma_start3A_351] : memref<2x4x50x64xf32, #tpu.memory_space<vmem>> -> memref<1x4x50x64xf32, #tpu.memory_space<vmem>>
      %dma_start3A_353 = tpu.memref_squeeze %dma_start3A_352 : memref<1x4x50x64xf32, #tpu.memory_space<vmem>> -> memref<4x50x64xf32, #tpu.memory_space<vmem>>
      tpu.enqueue_dma source(%dma_start3A_353 : memref<4x50x64xf32, #tpu.memory_space<vmem>>) target(%dma_start3A_348 : memref<4x50x64xf32, #tpu.memory_space<hbm>>) target_semaphore(%arg10 : memref<!tpu.dma_semaphore, #tpu.memory_space<semaphore_mem>>)
      %dma_wait3A_354 = arith.constant 0 : i32
      %dma_wait3A_355 = arith.constant 0 : i32
      %dma_wait3A_356 = arith.constant 0 : i32
      %dma_wait3A_357 = arith.constant 0 : i32
      %dma_wait3A_358 = tpu.memref_slice %arg8[%dma_wait3A_354, %dma_wait3A_355, %dma_wait3A_356, %dma_wait3A_357] : memref<2x4x50x64xf32, #tpu.memory_space<vmem>> -> memref<1x4x50x64xf32, #tpu.memory_space<vmem>>
      %dma_wait3A_359 = tpu.memref_squeeze %dma_wait3A_358 : memref<1x4x50x64xf32, #tpu.memory_space<vmem>> -> memref<4x50x64xf32, #tpu.memory_space<vmem>>
      %dma_wait3A_360 = arith.constant 0 : i32
      %dma_wait3A_361 = arith.constant 0 : i32
      %dma_wait3A_362 = tpu.memref_slice %arg4[%add3A_238, %dma_wait3A_360, %dma_wait3A_361] : memref<1024x50x64xf32, #tpu.memory_space<hbm>> -> memref<4x50x64xf32, #tpu.memory_space<hbm>>
      %dma_wait3A_363 = arith.constant 0 : i32
      %dma_wait3A_364 = arith.constant 0 : i32
      %dma_wait3A_365 = tpu.memref_slice %arg4[%add3A_238, %dma_wait3A_363, %dma_wait3A_364] : memref<1024x50x64xf32, #tpu.memory_space<hbm>> -> memref<4x50x64xf32, #tpu.memory_space<hbm>>
      %dma_wait3A_366 = arith.constant 0 : i32
      %dma_wait3A_367 = arith.constant 0 : i32
      %dma_wait3A_368 = arith.constant 0 : i32
      %dma_wait3A_369 = tpu.memref_slice %arg8[%dma_wait3A_354, %dma_wait3A_366, %dma_wait3A_367, %dma_wait3A_368] : memref<2x4x50x64xf32, #tpu.memory_space<vmem>> -> memref<1x4x50x64xf32, #tpu.memory_space<vmem>>
      %dma_wait3A_370 = tpu.memref_squeeze %dma_wait3A_369 : memref<1x4x50x64xf32, #tpu.memory_space<vmem>> -> memref<4x50x64xf32, #tpu.memory_space<vmem>>
      tpu.wait_dma2 semaphore(%arg10 : memref<!tpu.dma_semaphore, #tpu.memory_space<semaphore_mem>>) src(%dma_wait3A_370 : memref<4x50x64xf32, #tpu.memory_space<vmem>>) dst(%dma_wait3A_365 : memref<4x50x64xf32, #tpu.memory_space<hbm>>)
      %dma_wait3A_371 = arith.constant 1 : i32
      %dma_wait3A_372 = arith.constant 0 : i32
      %dma_wait3A_373 = arith.constant 0 : i32
      %dma_wait3A_374 = arith.constant 0 : i32
      %dma_wait3A_375 = tpu.memref_slice %arg8[%dma_wait3A_371, %dma_wait3A_372, %dma_wait3A_373, %dma_wait3A_374] : memref<2x4x50x64xf32, #tpu.memory_space<vmem>> -> memref<1x4x50x64xf32, #tpu.memory_space<vmem>>
      %dma_wait3A_376 = tpu.memref_squeeze %dma_wait3A_375 : memref<1x4x50x64xf32, #tpu.memory_space<vmem>> -> memref<4x50x64xf32, #tpu.memory_space<vmem>>
      %dma_wait3A_377 = arith.constant 0 : i32
      %dma_wait3A_378 = arith.constant 0 : i32
      %dma_wait3A_379 = tpu.memref_slice %arg4[%add3A_336, %dma_wait3A_377, %dma_wait3A_378] : memref<1024x50x64xf32, #tpu.memory_space<hbm>> -> memref<4x50x64xf32, #tpu.memory_space<hbm>>
      %dma_wait3A_380 = arith.constant 0 : i32
      %dma_wait3A_381 = arith.constant 0 : i32
      %dma_wait3A_382 = tpu.memref_slice %arg4[%add3A_336, %dma_wait3A_380, %dma_wait3A_381] : memref<1024x50x64xf32, #tpu.memory_space<hbm>> -> memref<4x50x64xf32, #tpu.memory_space<hbm>>
      %dma_wait3A_383 = arith.constant 0 : i32
      %dma_wait3A_384 = arith.constant 0 : i32
      %dma_wait3A_385 = arith.constant 0 : i32
      %dma_wait3A_386 = tpu.memref_slice %arg8[%dma_wait3A_371, %dma_wait3A_383, %dma_wait3A_384, %dma_wait3A_385] : memref<2x4x50x64xf32, #tpu.memory_space<vmem>> -> memref<1x4x50x64xf32, #tpu.memory_space<vmem>>
      %dma_wait3A_387 = tpu.memref_squeeze %dma_wait3A_386 : memref<1x4x50x64xf32, #tpu.memory_space<vmem>> -> memref<4x50x64xf32, #tpu.memory_space<vmem>>
      tpu.wait_dma2 semaphore(%arg10 : memref<!tpu.dma_semaphore, #tpu.memory_space<semaphore_mem>>) src(%dma_wait3A_387 : memref<4x50x64xf32, #tpu.memory_space<vmem>>) dst(%dma_wait3A_382 : memref<4x50x64xf32, #tpu.memory_space<hbm>>)
    }
    %scan3A_8 = arith.constant 4 : i32
    return
  }
}

</mosaic_0001>

<sc_bundles>
// kernel: kernel.3.cloned.1.call-start
scs
__scs_entry_jumppad:
0x0: {  	(pc) =	sbr.rel $0x88, $3  }
0x1: {  	(tag) =	ssettag $0x0;
	lr =	simm.s32 $0x1  }
0x2: {  	[smem:$0x3F9F] =	sst lr;
	_ =	strace $0xD0000000  }
0x3: {  	_ = 	snop  }
0x4: {  	_ = 	snop  }
0x5: {  	_ = 	snop  }
0x6: {  	_ = 	snop  }
0x7: {  	_ = 	snop  }
__scs_overlays_trampoline_lowered:
0x8: {  	[smem:$0x3FAE] =	sst s0  }
0x9: {  	[smem:$0x3FAF] =	sst s1  }
0xa: {  	[smem:$0x3FB0] =	sst s2  }
0xb: {  	[smem:$0x3FB1] =	sst s3  }
0xc: {  	[smem:$0x3FB2] =	sst s4  }
0xd: {  	[smem:$0x3FB3] =	sst s5  }
0xe: {  	[smem:$0x3FB4] =	sst s6  }
0xf: {  	[smem:$0x3FB5] =	sst s7  }
0x10: {  	[smem:$0x3FB6] =	sst s8  }
0x11: {  	[smem:$0x3FB7] =	sst s9;
	s0 =	simm.s32 @!p0 $0x0  }
0x12: {  	s1 =	sld [smem:$0x3F9D];
	s0 =	simm.s32 @p0 $0x1  }
0x13: {  	[smem:$0x3FB8] =	sst s0;
	s0 =	simm.s32 @!p1 $0x0  }
0x14: {  	s2 =	sld [smem:$0x3F9C];
	s0 =	simm.s32 @p1 $0x1  }
0x15: {  	[smem:$0x3FB9] =	sst s0;
	s0 =	simm.s32 @!p2 $0x0  }
0x16: {  	s3 =	sld [smem:$0x3FDB];
	s0 =	simm.s32 @p2 $0x1  }
0x17: {  	s4 =	simm.s32 $0x1BF5;
	[smem:$0x3FBB] =	sst s0  }
0x18: {  	s0 =	sld [smem:$0x3F9E];
	_ =	swait.ge [sflag:s4], $0x0  }
0x19: {  	s7 =	sld [smem:$0x3F9F]  }
0x1a: {  	s8 =	sadd.s32 $0xFFFFE003, lr  }
0x1b: {  	s9 =	sadd.s32 $0xFFFFFEF7, lr;
	s5 =	simm.s32 $0xFFFFFFFF;
	p2 =	slt.u32 s8, $0xFFFFF086  }
0x1c: {  	p1 =	slt.u32 s9, $0xF7A;
	s5 =	simm.s32 @!p2 $0x0  }
0x1d: {  	s5 =	simm.s32 @p1 $0x1;
	p0 =	seq.s32 s7, s2  }
0x1e: {  	s7 =	smul.u32 @!p0 $0xF7A, s2;
	p2 =	seq.s32 @!p0 s5, $0x0  }
0x1f: {  	s9 =	smul.u32 $0xF7A, s1;
	s8 =	simm.s32 @!p0 $0x1BF5;
	p2 =	por !p2, p0  }
0x20: {  	[sflag:s8] =	ssyncset.s32 @!p0 $0xFFFFF086;
	s6 =	sadd.s32 @!p0 s3, s7;
	s7 =	simm.s32 @!p0 $0x108  }
0x21: {  	s3 =	sadd.s32 s3, s9;
	s6 =	sadd.s32 @!p0 $0x88, s6;
	s7 =	simm.s32 @p2 $0x1082  }
0x22: {  	[simem:s7], [sflag:s8] =	dma.local @!p0 [hbm:s6], $0xF7A  }
0x23: {  	s9 =	sor.u32 $0xD0000000, s2;
	s6 =	simm.s32 $0x108;
	_ =	swait.ge @!p0 [sflag:s8], $0x0  }
0x24: {  	s3 =	sadd.s32 $0x88, s3;
	s6 =	simm.s32 @!p1 $0x1082;
	[sflag:s4] =	ssyncset.s32 $0xFFFFF086  }
0x25: {  	[simem:s6], [sflag:s4] =	dma.local [hbm:s3], $0xF7A  }
0x26: {  	[smem:$0x3F9F] =	sst s1;
	(tag) =	ssettag s2;
	_ =	strace s9  }
0x27: {  	s1 =	sld [smem:$0x3FAF]  }
0x28: {  	s2 =	sld [smem:$0x3FB0]  }
0x29: {  	s4 =	sld [smem:$0x3FB2]  }
0x2a: {  	p0 =	seq.s32 s5, $0x0;
	s5 =	sld [smem:$0x3FB3]  }
0x2b: {  	s6 =	sld [smem:$0x3FB4]  }
0x2c: {  	s7 =	sld [smem:$0x3FB5]  }
0x2d: {  	s3 =	simm.s32 $0x108;
	s8 =	sld [smem:$0x3FB6]  }
0x2e: {  	s3 =	simm.s32 @!p0 $0x1082;
	s9 =	sld [smem:$0x3FB7]  }
0x2f: {  	lr =	sadd.s32 s0, s3;
	s0 =	sld [smem:$0x3FAE]  }
0x30: {  	s3 =	sld [smem:$0x3FB1]  }
0x31: {  	[smem:$0x3FBA] =	sst s10  }
0x32: {  	s10 =	sld [smem:$0x3FB8];
	_ =	sdelay $0x3  }
0x33: {  	p0 =	seq.s32 s10, $0x1;
	s10 =	sld [smem:$0x3FBA];
	_ =	sdelay $0x3  }
0x34: {  	[smem:$0x3FBA] =	sst s10  }
0x35: {  	s10 =	sld [smem:$0x3FB9];
	_ =	sdelay $0x3  }
0x36: {  	p1 =	seq.s32 s10, $0x1;
	s10 =	sld [smem:$0x3FBA];
	_ =	sdelay $0x3  }
0x37: {  	[smem:$0x3FBA] =	sst s10  }
0x38: {  	s10 =	sld [smem:$0x3FBB]  }
0x39: {  	_ = 	snop;
	(pc) =	sbr.ind lr, $3  }
0x3a: {  	_ = 	snop  }
0x3b: {  	_ = 	snop  }
0x3c: {  	p2 =	seq.s32 s10, $0x1;
	s10 =	sld [smem:$0x3FBA]  }
0x3d: {  	_ =	shalt  }
0x3e: {  	_ =	shalt  }
0x3f: {  	_ =	shalt  }
0x40: {  	_ =	shalt  }
0x41: {  	_ =	shalt  }
0x42: {  	_ =	shalt  }
0x43: {  	_ =	shalt  }
0x44: {  	_ =	shalt  }
0x45: {  	_ =	shalt  }
0x46: {  	_ =	shalt  }
0x47: {  	_ =	shalt  }
0x48: {  	_ =	shalt  }
0x49: {  	_ =	shalt  }
0x4a: {  	_ =	shalt  }
0x4b: {  	_ =	shalt  }
0x4c: {  	_ =	shalt  }
0x4d: {  	_ =	shalt  }
0x4e: {  	_ =	shalt  }
0x4f: {  	_ =	shalt  }
0x50: {  	_ =	shalt  }
0x51: {  	_ =	shalt  }
0x52: {  	_ =	shalt  }
0x53: {  	_ =	shalt  }
0x54: {  	_ =	shalt  }
0x55: {  	_ =	shalt  }
0x56: {  	_ =	shalt  }
0x57: {  	_ =	shalt  }
0x58: {  	_ =	shalt  }
0x59: {  	_ =	shalt  }
0x5a: {  	_ =	shalt  }
0x5b: {  	_ =	shalt  }
0x5c: {  	_ =	shalt  }
0x5d: {  	_ =	shalt  }
0x5e: {  	_ =	shalt  }
0x5f: {  	_ =	shalt  }
0x60: {  	_ =	shalt  }
0x61: {  	_ =	shalt  }
0x62: {  	_ =	shalt  }
0x63: {  	_ =	shalt  }
0x64: {  	_ =	shalt  }
0x65: {  	_ =	shalt  }
0x66: {  	_ =	shalt  }
0x67: {  	_ =	shalt  }
0x68: {  	_ =	shalt  }
0x69: {  	_ =	shalt  }
0x6a: {  	_ =	shalt  }
0x6b: {  	_ =	shalt  }
0x6c: {  	_ =	shalt  }
0x6d: {  	_ =	shalt  }
0x6e: {  	_ =	shalt  }
0x6f: {  	_ =	shalt  }
0x70: {  	_ =	shalt  }
0x71: {  	_ =	shalt  }
0x72: {  	_ =	shalt  }
0x73: {  	_ =	shalt  }
0x74: {  	_ =	shalt  }
0x75: {  	_ =	shalt  }
0x76: {  	_ =	shalt  }
0x77: {  	_ =	shalt  }
0x78: {  	_ =	shalt  }
0x79: {  	_ =	shalt  }
0x7a: {  	_ =	shalt  }
0x7b: {  	_ =	shalt  }
0x7c: {  	_ =	shalt  }
0x7d: {  	_ =	shalt  }
0x7e: {  	_ =	shalt  }
0x7f: {  	_ =	shalt  }
0x80: {  	_ =	shalt  }
0x81: {  	_ =	shalt  }
0x82: {  	_ =	shalt  }
0x83: {  	_ =	shalt  }
0x84: {  	_ =	shalt  }
0x85: {  	_ =	shalt  }
0x86: {  	_ =	shalt  }
0x87: {  	_ =	shalt  }
.Lfunc_end0:
.L_simem_size_0:
called_computation_lowered:
.L_overlay_start_0:
0x88: {  	s2 =	sld [smem:$0x3FD9]  }
0x89: {  	s3 =	sld [smem:$0x3FFE];
	_ =	sdelay $0x1  }
0x8a: {  	s1 =	srdreg.scid  }
0x8b: {  	s0 =	sand.u32 $0x1, s1  }
0x8c: {  	s17 =	sshll.u32 s0, $0xA;
	s2 =	sadd.s32 s3, s2  }
0x8d: {  	s2 =	sadd.s32 s2, s17  }
0x8e: {  	[smem:$0x3FC6] =	sst s2  }
0x8f: {  	_ = 	snop  }
0x90: {  	s2 =	sld [smem:$0x3FD0];
	(tm) =	ssettm $0x1  }
0x91: {  	s18 =	sld [smem:$0x3FFB];
	_ =	sdelay $0x3  }
0x92: {  	_ =	strace s18  }
0x93: {  	s3 =	sld [smem:$0x3FFC];
	_ =	sdelay $0x3  }
0x94: {  	_ =	strace s3  }
0x95: {  	s3 =	sld [smem:$0x3FFD];
	_ =	sdelay $0x3  }
0x96: {  	_ =	strace s3  }
0x97: {  	_ =	strace $0x8FFFFFFF  }
0x98: {  	s19 =	sld [smem:$0x3FDB];
	_ =	sdelay $0x1  }
0x99: {  	s4 =	simm.s32 $_scs_section_size  }
0x9a: {  	s5 =	simm.s32 $_size__tile_overlayer_lowered;
	s6 =	simm.s32 $_tile_overlayer_lowered  }
0x9b: {  	s22 =	simm.s32 $0x1BFF;
	s21 =	sshll.u32 s6, $0x1;
	s3 =	sadd.s32 s4, s19  }
0x9c: {  	s7 =	simm.s32 $0x0;
	s20 =	sshll.u32 s5, $0x1;
	s5 =	sadd.s32 s21, s3  }
0x9d: {  	[timem:s7], [sflag:s22] =	dma.local [hbm:s5], s20  }
0x9e: {  	_ =	swait.ge [sflag:s22], s20  }
0x9f: {  	s4 =	ssub.s32 $0x0, s20;
	[sflag:s22] =	ssyncset.done $0x0  }
0xa0: {  	[sflag:s22] =	ssyncadd.s32 s4;
	_ =	sdelay $0x1  }
0xa1: {  	s23 =	simm.s32 $0x1B8B  }
0xa2: {  	_ =	swait.ge [sflag:s23], $0x1  }
0xa3: {  	[sflag:s23] =	ssyncset.done $0x0  }
0xa4: {  	s25 =	simm.s32 $0x1B8E;
	s24 =	sld [smem:$0x3FFE];
	[sflag:s23] =	ssyncadd.s32 $0xFFFFFFFF  }
0xa5: {  	s26 =	simm.s32 $execute0_lowered;
	[smem:$0x3FD2] =	sst s25  }
0xa6: {  	s5 =	sshll.u32 s26, $0x1;
	_ =	strace $0x80000046;
	[dreg:$0x1] =	wrdreg $0xFFFFFFFF  }
0xa7: {  	s28 =	simm.s32 $_size_execute0_lowered;
	s3 =	sadd.s32 s3, s5;
	[dreg:$0x0] =	wrdreg $0x0  }
0xa8: {  	s5 =	sshll.u32 s28, $0x1;
	[dreg:$0x2] =	wrdreg s3  }
0xa9: {  	[dreg:$0x3] =	wrdreg s5  }
0xaa: {  	[dreg:$0x4] =	wrdreg $0xC0  }
0xab: {  	_ =	task [dreg:s7], $0x5FFFF  }
0xac: {  	[dreg:$0x1] =	wrdreg $0xFFFFFFFF  }
0xad: {  	[dreg:$0x0] =	wrdreg $0x60  }
0xae: {  	[dreg:$0x2] =	wrdreg s2  }
0xaf: {  	[dreg:$0x3] =	wrdreg s24  }
0xb0: {  	[dreg:$0x4] =	wrdreg $0x0  }
0xb1: {  	[dreg:$0x5] =	wrdreg $0x9  }
0xb2: {  	_ =	task.clear_ibuf [dreg:s7], $0x6FFFF;
	_ =	strace $0x90000046  }
0xb3: {  	s29 =	simm.s32 $0x9;
	_ =	strace $0x80000048  }
0xb4: {  	_ =	swait.ge [sflag:s29], $0x1  }
0xb5: {  	[sflag:s29] =	ssyncadd.s32 $0xFFFFFFFF  }
0xb6: {  	_ =	strace $0x90000048  }
0xb7: {  	_ =	sfence  }
0xb8: {  	s30 =	sld [smem:$0x0];
	_ =	sdelay $0x2  }
0xb9: {  	s31 =	sshll.u32 s1, $0xD;
	s1 =	sshrl.u32 s1, $0x2  }
0xba: {  	s3 =	sand.u32 $0x4000, s31;
	s1 =	sadd.s32 s1, s30  }
0xbb: {  	s0 =	sor.u32 s3, s0;
	s1 =	sshll.u32 s1, $0x11  }
0xbc: {  	s0 =	sor.u32 s1, s0  }
0xbd: {  	s0 =	sadd.s32 $0x8F2B, s0  }
0xbe: {  	[sflag:s0] =	ssyncadd.remote.s32 $0x1  }
0xbf: {  	_ =	sfence.sel $0xFFFF  }
0xc0: {  	[dreg:$0x0] =	wrdreg $0xFFFFFFFF;
	(pc) =	sbr.abs _section_cstart, $3  }
0xc1: {  	[dreg:$0x1] =	wrdreg $0xFFFFFFFF  }
0xc2: {  	_ =	task.clear_ibuf [dreg:s7], $0x2FFFF;
	_ =	strace $0x9FFFFFFF  }
0xc3: {  	(tm) =	ssettm $0x7FFFFFFF  }
tec
execute0_lowered:
.L_overlay_start_1:
0x0: {  	(tag) =	ssettag $0x1  }
0x1: {  	s0 =	rddreg [dreg:$0x0]  }
0x2: {  	s3 =	rddreg [dreg:$0x1]  }
0x3: {  	s1 =	rddreg [dreg:$0x2];
	s2 =	simm.s32 $0x0  }
0x4: {  	s4 =	srdreg.scid;
	s6 =	stileid.u32;
	s11 =	simm.s32 $0x32  }
0x5: {  	s12 =	simm.s32 $0x2F40;
	s13 =	simm.s32 $0x4840;
	s14 =	simm.s32 $0x6140  }
0x6: {  	s15 =	simm.s32 $0x7A40;
	s16 =	simm.s32 $0x9340;
	s17 =	simm.s32 $0xAC40  }
0x7: {  	s18 =	simm.s32 $0xC540;
	s19 =	simm.s32 $0xDE40;
	s20 =	simm.s32 $0x1  }
0x8: {  	s21 =	simm.s32 $0xF740;
	s22 =	simm.s32 $0x11340;
	s23 =	simm.s32 $0x12F40  }
0x9: {  	s28 =	simm.s32 $0x19F40;
	s29 =	simm.s32 $0x1BB40;
	s30 =	simm.s32 $0x2  }
0xa: {  	s31 =	simm.s32 $0x0;
	[smem:$0x7FF] =	sst s2;
	s4 =	sand.u32 $0x1, s4  }
0xb: {  	s5 =	sshll.u32 s6, $0x6;
	s8 =	sadd.s32 $0x400, s3;
	s7 =	sshll.u32 s4, $0x5  }
0xc: {  	_ =	strace $0x80000047;
	s24 =	ssub.s32 $0x2, s4;
	s4 =	sor.u32 s7, s5  }
0xd: {  	[dreg:$0x4] =	wrdreg s8;
	s25 =	sshrl.u32 s24, $0x1;
	s7 =	sshll.u32 s4, $0x4  }
0xe: {  	s5 =	sadd.s32 $0x4400, s3;
	s3 =	ssub.s32 s24, s25;
	s0 =	sadd.s32 s0, s7  }
0xf: {  	p0 =	sne.s32 s6, $0x0;
	s26 =	smax.u32 s3, $0x1;
	[dreg:$0x5] =	wrdreg s0  }
0x10: {  	s24 =	simm.s32 $0x14B40;
	[dreg:$0x6] =	wrdreg s26;
	s0 =	sshrl.u32 @!p0 s1, $0x3  }
0x11: {  	s25 =	simm.s32 $0x16740;
	s26 =	simm.s32 $0x18340;
	[dreg:$0x7] =	wrdreg s0  }
.LBB2_1:
0x12: {  	s3 =	rddreg [dreg:$0x4]  }
0x13: {  	s0 =	simm.s32 @!p0 $0x1C03;
	s6 =	rddreg [dreg:$0x7]  }
0x14: {  	[spmem:s6], [sflag:s0] =	dma.local @!p0 [hbm:s3], $0x3E80  }
0x15: {  	s0 =	simm.s32 @!p0 $0x3  }
0x16: {  	_ =	swait.ge @!p0 [sflag:s0], $0x3E80  }
0x17: {  	s9 =	simm.s32 $0x1F40;
	[sflag:s0] =	ssyncset.done @!p0 $0x0  }
0x18: {  	s10 =	simm.s32 $0x3;
	s8 =	rddreg [dreg:$0x5];
	[sflag:s0] =	ssyncadd.s32 @!p0 $0xFFFFC180  }
0x19: {  	[tilespmem:s9], [sflag:$0x3] =	stream.linear.gather [hbm4b:s8+s2], $0x1000, $0x38;
	[tilespmem:$0x1D740] =	vst v63  }
0x1a: {  	_ =	swait.ge [sflag:s10], $0x1000  }
0x1b: {  	[sflag:s10] =	ssyncset.done $0x0  }
0x1c: {  	[sflag:s10] =	ssyncadd.s32 $0xFFFFF000  }
0x1d: {  	s0 =	simm.s32 $0x0;
	[bflag:$0x0] =	sbarrier.arrive $0xFFFF  }
.LBB2_2:
0x1e: {  	s3 =	sshll.u32 s0, $0xA  }
0x1f: {  	s6 =	sand.u32 $0x3FFFFC00, s3  }
0x20: {  	s3 =	sadd.s32 $0x1F40, s6  }
0x21: {  	[tilespmem:s12], [sflag:$0x1] =	stream.indirect.gather [spmem:s1], $0x80, s3, s11, $0xb8;
	[tilespmem:$0x1D740] =	vst v63  }
0x22: {  	s8 =	sadd.s32 $0x1FC0, s6  }
0x23: {  	[tilespmem:s13], [sflag:$0x1] =	stream.indirect.gather [spmem:s1], $0x80, s8, s11, $0xb8;
	[tilespmem:$0x1D740] =	vst v63  }
0x24: {  	s9 =	sadd.s32 $0x2040, s6;
	s3 =	sshll.u32 s0, $0x3  }
0x25: {  	[tilespmem:s14], [sflag:$0x1] =	stream.indirect.gather [spmem:s1], $0x80, s9, s11, $0xb8;
	[tilespmem:$0x1D740] =	vst v63  }
0x26: {  	s9 =	sor.u32 $0x4, s3  }
0x27: {  	s7 =	sadd.s32 $0x20C0, s6;
	s10 =	sshll.u32 s9, $0x7  }
0x28: {  	[tilespmem:s15], [sflag:$0x1] =	stream.indirect.gather [spmem:s1], $0x80, s7, s11, $0xb8;
	[tilespmem:$0x1D740] =	vst v63  }
0x29: {  	s7 =	sand.u32 $0x3FFFFE00, s10  }
0x2a: {  	s7 =	sadd.s32 $0x1F40, s7  }
0x2b: {  	[tilespmem:s16], [sflag:$0x1] =	stream.indirect.gather [spmem:s1], $0x80, s7, s11, $0xb8;
	[tilespmem:$0x1D740] =	vst v63  }
0x2c: {  	s8 =	sadd.s32 $0x21C0, s6  }
0x2d: {  	[tilespmem:s17], [sflag:$0x1] =	stream.indirect.gather [spmem:s1], $0x80, s8, s11, $0xb8;
	[tilespmem:$0x1D740] =	vst v63  }
0x2e: {  	s10 =	sadd.s32 $0x2240, s6  }
0x2f: {  	[tilespmem:s18], [sflag:$0x1] =	stream.indirect.gather [spmem:s1], $0x80, s10, s11, $0xb8;
	[tilespmem:$0x1D740] =	vst v63  }
0x30: {  	s6 =	sadd.s32 $0x22C0, s6  }
0x31: {  	[tilespmem:s19], [sflag:$0x1] =	stream.indirect.gather [spmem:s1], $0x80, s6, s11, $0xb8;
	[tilespmem:$0x1D740] =	vst v63  }
0x32: {  	_ =	swait.ge [sflag:s20], $0x1900  }
0x33: {  	[sflag:s20] =	ssyncset.done $0x0  }
0x34: {  	[sflag:s20] =	ssyncadd.s32 $0xFFFFE700  }
0x35: {  	_ =	swait.ge [sflag:s20], $0x1900  }
0x36: {  	[sflag:s20] =	ssyncset.done $0x0  }
0x37: {  	[sflag:s20] =	ssyncadd.s32 $0xFFFFE700  }
0x38: {  	_ =	swait.ge [sflag:s20], $0x1900  }
0x39: {  	[sflag:s20] =	ssyncset.done $0x0  }
0x3a: {  	[sflag:s20] =	ssyncadd.s32 $0xFFFFE700  }
0x3b: {  	_ =	swait.ge [sflag:s20], $0x1900  }
0x3c: {  	[sflag:s20] =	ssyncset.done $0x0  }
0x3d: {  	s6 =	simm.s32 $0x0;
	[sflag:s20] =	ssyncadd.s32 $0xFFFFE700  }
0x3e: {  	v0 =	vld [tilespmem:s6+$0x2F70]  }
0x3f: {  	v1 =	vld [tilespmem:s6+$0x2F40]  }
0x40: {  	v2 =	vld [tilespmem:s6+$0x2F50]  }
0x41: {  	s7 =	simm.s32 $0x0;
	s8 =	simm.s32 $0x200;
	v3 =	vld [tilespmem:s6+$0x2F60]  }
.LBB2_3:
0x42: {  	p1 =	sne.s32 s8, $0x6200  }
.Ltmp0:
0x43: {  	s10 =	sshra.s32 s8, $0x2;
	s8 =	sadd.s32 $0x200, s8;
	[tilespmem:s7+$0xF770] =	vst v0;
	(pc) =	sbr.rel @p1 .LBB2_3-.Ltmp0, $4  }
0x44: {  	v0 =	vld [tilespmem:s10+$0x2F70];
	[tilespmem:s7+$0xF740] =	vst v1  }
0x45: {  	v1 =	vld [tilespmem:s10+$0x2F40];
	[tilespmem:s7+$0xF750] =	vst v2  }
0x46: {  	v2 =	vld [tilespmem:s10+$0x2F50];
	[tilespmem:s7+$0xF760] =	vst v3;
	s7 =	smov.u32 s10  }
0x47: {  	v3 =	vld [tilespmem:s7+$0x2F60]  }
0x48: {  	_ = 	snop  }
0x49: {  	[tilespmem:s7+$0xF770] =	vst v0  }
0x4a: {  	[tilespmem:s7+$0xF740] =	vst v1  }
0x4b: {  	[tilespmem:s7+$0xF750] =	vst v2  }
0x4c: {  	[tilespmem:s7+$0xF760] =	vst v3  }
0x4d: {  	v0 =	vld [tilespmem:s6+$0x4870]  }
0x4e: {  	v1 =	vld [tilespmem:s6+$0x4840]  }
0x4f: {  	v2 =	vld [tilespmem:s6+$0x4850]  }
0x50: {  	v3 =	vld [tilespmem:s6+$0x4860]  }
0x51: {  	s7 =	simm.s32 $0x200  }
.LBB2_5:
0x52: {  	s8 =	sshra.s32 s7, $0x2;
	p1 =	sne.s32 s7, $0x6200;
	s7 =	sadd.s32 $0x200, s7;
	[tilespmem:s6+$0x11370] =	vst v0  }
.Ltmp1:
0x53: {  	v0 =	vld [tilespmem:s8+$0x4870];
	[tilespmem:s6+$0x11340] =	vst v1;
	(pc) =	sbr.rel @p1 .LBB2_5-.Ltmp1, $3  }
0x54: {  	v1 =	vld [tilespmem:s8+$0x4840];
	[tilespmem:s6+$0x11350] =	vst v2  }
0x55: {  	v2 =	vld [tilespmem:s8+$0x4850];
	[tilespmem:s6+$0x11360] =	vst v3;
	s6 =	smov.u32 s8  }
0x56: {  	v3 =	vld [tilespmem:s6+$0x4860];
	_ =	sdelay $0x1  }
0x57: {  	[tilespmem:s6+$0x11370] =	vst v0  }
0x58: {  	[tilespmem:s6+$0x11340] =	vst v1  }
0x59: {  	[tilespmem:s6+$0x11350] =	vst v2  }
0x5a: {  	[tilespmem:s6+$0x11360] =	vst v3;
	s6 =	simm.s32 $0x0  }
0x5b: {  	v0 =	vld [tilespmem:s6+$0x6170]  }
0x5c: {  	v1 =	vld [tilespmem:s6+$0x6140]  }
0x5d: {  	v2 =	vld [tilespmem:s6+$0x6150]  }
0x5e: {  	s8 =	simm.s32 $0x200;
	s7 =	simm.s32 $0x0;
	v3 =	vld [tilespmem:s6+$0x6160]  }
.LBB2_7:
0x5f: {  	p1 =	sne.s32 s8, $0x6200  }
.Ltmp2:
0x60: {  	s10 =	sshra.s32 s8, $0x2;
	s8 =	sadd.s32 $0x200, s8;
	[tilespmem:s7+$0x12F70] =	vst v0;
	(pc) =	sbr.rel @p1 .LBB2_7-.Ltmp2, $4  }
0x61: {  	v0 =	vld [tilespmem:s10+$0x6170];
	[tilespmem:s7+$0x12F40] =	vst v1  }
0x62: {  	v1 =	vld [tilespmem:s10+$0x6140];
	[tilespmem:s7+$0x12F50] =	vst v2  }
0x63: {  	v2 =	vld [tilespmem:s10+$0x6150];
	[tilespmem:s7+$0x12F60] =	vst v3;
	s7 =	smov.u32 s10  }
0x64: {  	v3 =	vld [tilespmem:s7+$0x6160]  }
0x65: {  	_ = 	snop  }
0x66: {  	[tilespmem:s7+$0x12F70] =	vst v0  }
0x67: {  	[tilespmem:s7+$0x12F40] =	vst v1  }
0x68: {  	[tilespmem:s7+$0x12F50] =	vst v2  }
0x69: {  	[tilespmem:s7+$0x12F60] =	vst v3  }
0x6a: {  	v2 =	vld [tilespmem:s6+$0x7A70]  }
0x6b: {  	v1 =	vld [tilespmem:s6+$0x7A40]  }
0x6c: {  	v0 =	vld [tilespmem:s6+$0x7A50]  }
0x6d: {  	s7 =	simm.s32 $0x200;
	v3 =	vld [tilespmem:s6+$0x7A60]  }
.LBB2_9:
0x6e: {  	p1 =	sne.s32 s7, $0x6200  }
.Ltmp3:
0x6f: {  	s8 =	sshra.s32 s7, $0x2;
	s7 =	sadd.s32 $0x200, s7;
	[tilespmem:s6+$0x14B70] =	vst v2;
	(pc) =	sbr.rel @p1 .LBB2_9-.Ltmp3, $4  }
0x70: {  	v2 =	vld [tilespmem:s8+$0x7A70];
	[tilespmem:s6+$0x14B40] =	vst v1  }
0x71: {  	v1 =	vld [tilespmem:s8+$0x7A40];
	[tilespmem:s6+$0x14B50] =	vst v0  }
0x72: {  	v0 =	vld [tilespmem:s8+$0x7A50];
	[tilespmem:s6+$0x14B60] =	vst v3;
	s6 =	smov.u32 s8  }
0x73: {  	v3 =	vld [tilespmem:s6+$0x7A60]  }
0x74: {  	_ = 	snop  }
0x75: {  	s3 =	sadd.s32 s4, s3;
	[tilespmem:s6+$0x14B70] =	vst v2  }
0x76: {  	s3 =	smul.u32 $0x380, s3;
	[tilespmem:s6+$0x14B40] =	vst v1  }
0x77: {  	[tilespmem:s6+$0x14B50] =	vst v0  }
0x78: {  	s8 =	simm.s32 $0x0;
	s3 =	sadd.s32 s5, s3;
	[tilespmem:s6+$0x14B60] =	vst v3  }
0x79: {  	[hbm4b:s3+s8] =	stream.linear.scatter [tilespmem:s21], [sflag:$0x2], $0x1900, $0x38;
	[tilespmem:$0x1D740] =	vst v63  }
0x7a: {  	s7 =	sadd.s32 $0x380, s3  }
0x7b: {  	[hbm4b:s7+s8] =	stream.linear.scatter [tilespmem:s22], [sflag:$0x2], $0x1900, $0x38;
	[tilespmem:$0x1D740] =	vst v63  }
0x7c: {  	s10 =	sadd.s32 $0x700, s3  }
0x7d: {  	[hbm4b:s10+s8] =	stream.linear.scatter [tilespmem:s23], [sflag:$0x2], $0x1900, $0x38;
	[tilespmem:$0x1D740] =	vst v63  }
0x7e: {  	s3 =	sadd.s32 $0xA80, s3  }
0x7f: {  	[hbm4b:s3+s8] =	stream.linear.scatter [tilespmem:s24], [sflag:$0x2], $0x1900, $0x38;
	[tilespmem:$0x1D740] =	vst v63  }
0x80: {  	_ =	swait.ge [sflag:s20], $0x1900  }
0x81: {  	[sflag:s20] =	ssyncset.done $0x0  }
0x82: {  	[sflag:s20] =	ssyncadd.s32 $0xFFFFE700  }
0x83: {  	_ =	swait.ge [sflag:s20], $0x1900  }
0x84: {  	[sflag:s20] =	ssyncset.done $0x0  }
0x85: {  	[sflag:s20] =	ssyncadd.s32 $0xFFFFE700  }
0x86: {  	_ =	swait.ge [sflag:s20], $0x1900  }
0x87: {  	[sflag:s20] =	ssyncset.done $0x0  }
0x88: {  	[sflag:s20] =	ssyncadd.s32 $0xFFFFE700  }
0x89: {  	_ =	swait.ge [sflag:s20], $0x1900  }
0x8a: {  	[sflag:s20] =	ssyncset.done $0x0  }
0x8b: {  	s3 =	simm.s32 $0x0;
	[sflag:s20] =	ssyncadd.s32 $0xFFFFE700  }
0x8c: {  	v0 =	vld [tilespmem:s3+$0x9370]  }
0x8d: {  	v1 =	vld [tilespmem:s3+$0x9340]  }
0x8e: {  	v2 =	vld [tilespmem:s3+$0x9350]  }
0x8f: {  	s6 =	simm.s32 $0x0;
	s7 =	simm.s32 $0x200;
	v3 =	vld [tilespmem:s3+$0x9360]  }
.LBB2_11:
0x90: {  	p1 =	sne.s32 s7, $0x6200  }
.Ltmp4:
0x91: {  	s8 =	sshra.s32 s7, $0x2;
	s7 =	sadd.s32 $0x200, s7;
	[tilespmem:s6+$0x16770] =	vst v0;
	(pc) =	sbr.rel @p1 .LBB2_11-.Ltmp4, $4  }
0x92: {  	v0 =	vld [tilespmem:s8+$0x9370];
	[tilespmem:s6+$0x16740] =	vst v1  }
0x93: {  	v1 =	vld [tilespmem:s8+$0x9340];
	[tilespmem:s6+$0x16750] =	vst v2  }
0x94: {  	v2 =	vld [tilespmem:s8+$0x9350];
	[tilespmem:s6+$0x16760] =	vst v3;
	s6 =	smov.u32 s8  }
0x95: {  	v3 =	vld [tilespmem:s6+$0x9360]  }
0x96: {  	_ = 	snop  }
0x97: {  	[tilespmem:s6+$0x16770] =	vst v0  }
0x98: {  	[tilespmem:s6+$0x16740] =	vst v1  }
0x99: {  	[tilespmem:s6+$0x16750] =	vst v2  }
0x9a: {  	[tilespmem:s6+$0x16760] =	vst v3  }
0x9b: {  	v0 =	vld [tilespmem:s3+$0xAC70]  }
0x9c: {  	v1 =	vld [tilespmem:s3+$0xAC40]  }
0x9d: {  	v2 =	vld [tilespmem:s3+$0xAC50]  }
0x9e: {  	v3 =	vld [tilespmem:s3+$0xAC60]  }
0x9f: {  	s6 =	simm.s32 $0x200  }
.LBB2_13:
0xa0: {  	s7 =	sshra.s32 s6, $0x2;
	p1 =	sne.s32 s6, $0x6200;
	s6 =	sadd.s32 $0x200, s6;
	[tilespmem:s3+$0x18370] =	vst v0  }
.Ltmp5:
0xa1: {  	v0 =	vld [tilespmem:s7+$0xAC70];
	[tilespmem:s3+$0x18340] =	vst v1;
	(pc) =	sbr.rel @p1 .LBB2_13-.Ltmp5, $3  }
0xa2: {  	v1 =	vld [tilespmem:s7+$0xAC40];
	[tilespmem:s3+$0x18350] =	vst v2  }
0xa3: {  	v2 =	vld [tilespmem:s7+$0xAC50];
	[tilespmem:s3+$0x18360] =	vst v3;
	s3 =	smov.u32 s7  }
0xa4: {  	v3 =	vld [tilespmem:s3+$0xAC60];
	_ =	sdelay $0x1  }
0xa5: {  	[tilespmem:s3+$0x18370] =	vst v0  }
0xa6: {  	[tilespmem:s3+$0x18340] =	vst v1  }
0xa7: {  	[tilespmem:s3+$0x18350] =	vst v2  }
0xa8: {  	[tilespmem:s3+$0x18360] =	vst v3;
	s3 =	simm.s32 $0x0  }
0xa9: {  	v0 =	vld [tilespmem:s3+$0xC570]  }
0xaa: {  	v1 =	vld [tilespmem:s3+$0xC540]  }
0xab: {  	v2 =	vld [tilespmem:s3+$0xC550]  }
0xac: {  	s7 =	simm.s32 $0x200;
	s6 =	simm.s32 $0x0;
	v3 =	vld [tilespmem:s3+$0xC560]  }
.LBB2_15:
0xad: {  	p1 =	sne.s32 s7, $0x6200  }
.Ltmp6:
0xae: {  	s8 =	sshra.s32 s7, $0x2;
	s7 =	sadd.s32 $0x200, s7;
	[tilespmem:s6+$0x19F70] =	vst v0;
	(pc) =	sbr.rel @p1 .LBB2_15-.Ltmp6, $4  }
0xaf: {  	v0 =	vld [tilespmem:s8+$0xC570];
	[tilespmem:s6+$0x19F40] =	vst v1  }
0xb0: {  	v1 =	vld [tilespmem:s8+$0xC540];
	[tilespmem:s6+$0x19F50] =	vst v2  }
0xb1: {  	v2 =	vld [tilespmem:s8+$0xC550];
	[tilespmem:s6+$0x19F60] =	vst v3;
	s6 =	smov.u32 s8  }
0xb2: {  	v3 =	vld [tilespmem:s6+$0xC560]  }
0xb3: {  	_ = 	snop  }
0xb4: {  	[tilespmem:s6+$0x19F70] =	vst v0  }
0xb5: {  	[tilespmem:s6+$0x19F40] =	vst v1  }
0xb6: {  	[tilespmem:s6+$0x19F50] =	vst v2  }
0xb7: {  	[tilespmem:s6+$0x19F60] =	vst v3  }
0xb8: {  	v2 =	vld [tilespmem:s3+$0xDE70]  }
0xb9: {  	v1 =	vld [tilespmem:s3+$0xDE40]  }
0xba: {  	v0 =	vld [tilespmem:s3+$0xDE50]  }
0xbb: {  	s6 =	simm.s32 $0x200;
	v3 =	vld [tilespmem:s3+$0xDE60]  }
.LBB2_17:
0xbc: {  	p1 =	sne.s32 s6, $0x6200  }
.Ltmp7:
0xbd: {  	s7 =	sshra.s32 s6, $0x2;
	s6 =	sadd.s32 $0x200, s6;
	[tilespmem:s3+$0x1BB70] =	vst v2;
	(pc) =	sbr.rel @p1 .LBB2_17-.Ltmp7, $4  }
0xbe: {  	v2 =	vld [tilespmem:s7+$0xDE70];
	[tilespmem:s3+$0x1BB40] =	vst v1  }
0xbf: {  	v1 =	vld [tilespmem:s7+$0xDE40];
	[tilespmem:s3+$0x1BB50] =	vst v0  }
0xc0: {  	v0 =	vld [tilespmem:s7+$0xDE50];
	[tilespmem:s3+$0x1BB60] =	vst v3;
	s3 =	smov.u32 s7  }
0xc1: {  	v3 =	vld [tilespmem:s3+$0xDE60]  }
0xc2: {  	_ = 	snop  }
0xc3: {  	s6 =	sadd.s32 s4, s9;
	[tilespmem:s3+$0x1BB70] =	vst v2  }
0xc4: {  	s6 =	smul.u32 $0x380, s6;
	[tilespmem:s3+$0x1BB40] =	vst v1  }
0xc5: {  	[tilespmem:s3+$0x1BB50] =	vst v0  }
0xc6: {  	s9 =	sadd.s32 s5, s6;
	[tilespmem:s3+$0x1BB60] =	vst v3  }
0xc7: {  	[hbm4b:s9+s2] =	stream.linear.scatter [tilespmem:s25], [sflag:$0x2], $0x1900, $0x38;
	[tilespmem:$0x1D740] =	vst v63  }
0xc8: {  	s6 =	sadd.s32 $0x380, s9  }
0xc9: {  	[hbm4b:s6+s2] =	stream.linear.scatter [tilespmem:s26], [sflag:$0x2], $0x1900, $0x38;
	[tilespmem:$0x1D740] =	vst v63  }
0xca: {  	s10 =	sadd.s32 $0x700, s9  }
0xcb: {  	[hbm4b:s10+s2] =	stream.linear.scatter [tilespmem:s28], [sflag:$0x2], $0x1900, $0x38;
	[tilespmem:$0x1D740] =	vst v63  }
0xcc: {  	s0 =	sadd.s32 $0x1, s0;
	s3 =	sadd.s32 $0xA80, s9  }
0xcd: {  	[hbm4b:s3+s2] =	stream.linear.scatter [tilespmem:s29], [sflag:$0x2], $0x1900, $0x38;
	[tilespmem:$0x1D740] =	vst v63  }
0xce: {  	p1 =	sne.s32 s0, $0x4;
	_ =	swait.ge [sflag:s30], $0x6400  }
.Ltmp8:
0xcf: {  	[sflag:s30] =	ssyncset.done $0x0;
	(pc) =	sbr.rel @p1 .LBB2_2-.Ltmp8, $4  }
0xd0: {  	[sflag:s30] =	ssyncadd.s32 $0xFFFF9C00  }
0xd1: {  	_ =	swait.ge [sflag:s30], $0x6400  }
0xd2: {  	[sflag:s30] =	ssyncset.done $0x0  }
0xd3: {  	[sflag:s30] =	ssyncadd.s32 $0xFFFF9C00  }
0xd4: {  	s31 =	sadd.s32 $0x1, s31;
	s0 =	rddreg [dreg:$0x6]  }
0xd5: {  	p1 =	sne.s32 s31, s0  }
.Ltmp9:
0xd6: {  	_ = 	snop;
	(pc) =	sbr.rel @p1 .LBB2_1-.Ltmp9, $1  }
0xd7: {  	_ =	sdelay $0x3  }
0xd8: {  	_ =	sfence.sel $0x180000  }
0xd9: {  	[bflag:$0x0] =	sbarrier.arrive $0xFFFF  }
0xda: {  	_ =	strace $0x90000047  }
0xdb: {  	[bflag:$0x2] =	sbarrier.arrive $0xFFFF  }
0xdc: {  	s0 =	rddreg [dreg:$0x3]  }
0xdd: {  	s0 =	sadd.s32 @!p0 $0x100000, s0  }
0xde: {  	[sflag:s0] =	ssyncadd.tile.s32 @!p0 $0x1;
	_ =	shalt  }
.Lfunc_end2:
_tile_overlayer_lowered:
.L_overlay_start_2:
0xdf: {  	(tag) =	ssettag $0x2  }
0xe0: {  	s0 =	rddreg [dreg:$0x0];
	s2 =	stileid.u32  }
0xe1: {  	s1 =	rddreg [dreg:$0x1];
	p0 =	sne.s32 s2, $0x0  }
0xe2: {  	s3 =	rddreg [dreg:$0x2];
	[bflag:$0x3] =	sbarrier.arrive $0xFFFF;
	s2 =	simm.s32 @!p0 $0x1C03  }
0xe3: {  	[timem:s3], [sflag:s2] =	dma.local @!p0 [hbm:s0], s1  }
0xe4: {  	s0 =	simm.s32 @!p0 $0x3  }
0xe5: {  	_ =	swait.ge @!p0 [sflag:s0], s1  }
0xe6: {  	s1 =	ssub.s32 @!p0 $0x0, s1;
	[sflag:s0] =	ssyncset.done @!p0 $0x0  }
0xe7: {  	[sflag:s0] =	ssyncadd.s32 @!p0 s1  }
0xe8: {  	[bflag:$0x3] =	sbarrier.arrive $0xFFFF  }
0xe9: {  	_ =	shalt  }

</sc_bundles>
